<compile_context>
chip_gen: v7x
topology: tpu7x:2x2x1
jax: 0.10.2.dev20260603
libtpu: 0.0.44.dev20260713+nightly
codegen_flags: <defaults>
</compile_context>

<pallas_src>
import functools

import jax
import jax.numpy as jnp
from jax import lax
from jax.experimental import pallas as pl
from jax.experimental.pallas import tpu as pltpu
from jax.experimental.pallas import tpu_sc as plsc

N_TOK = 2048
D_IN = 2048
D_MKT = 16
N_EXP = 8
TOP_K = 2
D_H = 1024
D_OUT = 512

BLK = 512
NB = N_TOK * TOP_K // BLK + N_EXP
NSLOT = NB * BLK

CB = 256
N_CB = N_TOK // CB

N_WORKERS = 32
SC_CHUNK = 32
N_CHUNKS = N_TOK // (N_WORKERS * SC_CHUNK)

_INV_SQRT2 = 0.7071067811865476


def _gate_route_body(x_ref, mkt_ref, wgx_ref, wgm_ref, bg_ref,
                     probs_ref, slot0_ref, slot1_ref, ew_ref,
                     bexp_ref, nused_ref):
    logits = (jnp.dot(x_ref[...], wgx_ref[...], preferred_element_type=jnp.float32)
              + jnp.dot(mkt_ref[...], wgm_ref[...], preferred_element_type=jnp.float32)
              + bg_ref[...])
    z = logits - jnp.max(logits, axis=-1, keepdims=True)
    p = jnp.exp(z)
    p = p / jnp.sum(p, axis=-1, keepdims=True)
    probs_ref[...] = p

    iota = lax.broadcasted_iota(jnp.int32, p.shape, 1)
    mx1 = jnp.max(p, axis=-1, keepdims=True)
    idx1 = jnp.min(jnp.where(p == mx1, iota, N_EXP), axis=-1, keepdims=True)
    p2 = jnp.where(iota == idx1, -jnp.inf, p)
    mx2 = jnp.max(p2, axis=-1, keepdims=True)
    idx2 = jnp.min(jnp.where(p2 == mx2, iota, N_EXP), axis=-1, keepdims=True)
    denom = mx1 + mx2 + 1e-8
    ew_ref[...] = jnp.concatenate([mx1 / denom, mx2 / denom], axis=1)

    m0 = (idx1 == iota).astype(jnp.float32)
    m1 = (idx2 == iota).astype(jnp.float32)
    s = m0 + m1

    ti = lax.broadcasted_iota(jnp.int32, (CB, CB), 0)
    tj = lax.broadcasted_iota(jnp.int32, (CB, CB), 1)
    tri = (tj < ti).astype(jnp.float32)
    blocks = []
    carry = jnp.zeros((1, N_EXP), jnp.float32)
    for b in range(N_CB):
        sb = s[b * CB:(b + 1) * CB, :]
        blocks.append(jnp.dot(tri, sb, preferred_element_type=jnp.float32) + carry)
        carry = carry + jnp.sum(sb, axis=0, keepdims=True)
    ec = jnp.concatenate(blocks, axis=0)
    counts = carry

    nb = jnp.floor((counts + (BLK - 1)) * (1.0 / BLK))
    upper = (lax.broadcasted_iota(jnp.int32, (N_EXP, N_EXP), 0)
             < lax.broadcasted_iota(jnp.int32, (N_EXP, N_EXP), 1)).astype(jnp.float32)
    startb = jnp.dot(nb, upper, preferred_element_type=jnp.float32)
    start_rows = startb * float(BLK)

    slot0 = jnp.sum(m0 * (ec + start_rows), axis=1, keepdims=True)
    slot1 = jnp.sum(m1 * (ec + m0 + start_rows), axis=1, keepdims=True)
    slot0_ref[...] = slot0.astype(jnp.int32)
    slot1_ref[...] = slot1.astype(jnp.int32)

    iota_b = lax.broadcasted_iota(jnp.int32, (NB, N_EXP), 0).astype(jnp.float32)
    cmp = (startb <= iota_b + 0.5).astype(jnp.float32)
    bexp_ref[...] = (jnp.sum(cmp, axis=1, keepdims=True) - 1.0).astype(jnp.int32)
    nused_ref[...] = jnp.sum(nb, axis=1, keepdims=True).astype(jnp.int32)


def _scatter_sc_body(x_hbm, slots_hbm, xs_hbm, xbuf, idxbuf, sem):
    wid = lax.axis_index("s") * 2 + lax.axis_index("c")
    for c in range(N_CHUNKS):
        j = wid * N_CHUNKS + c
        base = j * SC_CHUNK
        pltpu.sync_copy(x_hbm.at[pl.ds(base, SC_CHUNK)], xbuf)
        pltpu.sync_copy(slots_hbm.at[j], idxbuf)
        c0 = pltpu.async_copy(xbuf, xs_hbm.at[idxbuf.at[0]], sem)
        c1 = pltpu.async_copy(xbuf, xs_hbm.at[idxbuf.at[1]], sem)
        c0.wait()
        c1.wait()


_scatter_sc = functools.partial(
    pl.kernel,
    mesh=plsc.VectorSubcoreMesh(core_axis_name="c", subcore_axis_name="s"),
    out_type=jax.ShapeDtypeStruct((NSLOT, D_IN), jnp.float32),
    scratch_types=[
        pltpu.VMEM((SC_CHUNK, D_IN), jnp.float32),
        pltpu.VMEM((2, SC_CHUNK), jnp.int32),
        pltpu.SemaphoreType.DMA,
    ],
)(_scatter_sc_body)


def _ffn_body(bexp_ref, nused_ref, xs_ref, w1_ref, b1_ref, w2_ref, b2_ref, y_ref):
    b = pl.program_id(0)

    @pl.when(b < nused_ref[0])
    def _():
        h = jnp.dot(xs_ref[...], w1_ref[0], preferred_element_type=jnp.float32) + b1_ref[0]
        h = 0.5 * h * (1.0 + lax.erf(h * _INV_SQRT2))
        y_ref[...] = jnp.dot(h, w2_ref[0], preferred_element_type=jnp.float32) + b2_ref[0]


@jax.jit
def kernel(x, market_status, W_g, b_g, W1, b1, W2, b2):
    wgx = W_g[:D_IN]
    wgm = W_g[D_IN:]
    bg2 = b_g.reshape(1, N_EXP)

    full = lambda shape: pl.BlockSpec(shape, lambda: tuple(0 for _ in shape))
    probs, slot0, slot1, ew, bexp, nused = pl.pallas_call(
        _gate_route_body,
        in_specs=[
            full((N_TOK, D_IN)),
            full((N_TOK, D_MKT)),
            full((D_IN, N_EXP)),
            full((D_MKT, N_EXP)),
            full((1, N_EXP)),
        ],
        out_specs=[
            full((N_TOK, N_EXP)),
            full((N_TOK, 1)),
            full((N_TOK, 1)),
            full((N_TOK, TOP_K)),
            full((NB, 1)),
            full((1, 1)),
        ],
        out_shape=[
            jax.ShapeDtypeStruct((N_TOK, N_EXP), jnp.float32),
            jax.ShapeDtypeStruct((N_TOK, 1), jnp.int32),
            jax.ShapeDtypeStruct((N_TOK, 1), jnp.int32),
            jax.ShapeDtypeStruct((N_TOK, TOP_K), jnp.float32),
            jax.ShapeDtypeStruct((NB, 1), jnp.int32),
            jax.ShapeDtypeStruct((1, 1), jnp.int32),
        ],
    )(x, market_status, wgx, wgm, bg2)

    nrows = N_WORKERS * N_CHUNKS
    slots_sc = jnp.stack(
        [slot0.reshape(nrows, SC_CHUNK), slot1.reshape(nrows, SC_CHUNK)], axis=1)
    ws_sc = jnp.stack(
        [ew[:, 0].reshape(nrows, SC_CHUNK), ew[:, 1].reshape(nrows, SC_CHUNK)],
        axis=1)

    xs = _scatter_sc(x, slots_sc)

    grid_spec = pltpu.PrefetchScalarGridSpec(
        num_scalar_prefetch=2,
        grid=(NB,),
        in_specs=[
            pl.BlockSpec((BLK, D_IN),
                         lambda b, be, nu: (jnp.minimum(b, nu[0] - 1), 0)),
            pl.BlockSpec((1, D_IN, D_H), lambda b, be, nu: (be[b], 0, 0)),
            pl.BlockSpec((1, 1, D_H), lambda b, be, nu: (be[b], 0, 0)),
            pl.BlockSpec((1, D_H, D_OUT), lambda b, be, nu: (be[b], 0, 0)),
            pl.BlockSpec((1, 1, D_OUT), lambda b, be, nu: (be[b], 0, 0)),
        ],
        out_specs=pl.BlockSpec((BLK, D_OUT), lambda b, be, nu: (b, 0)),
    )
    y = pl.pallas_call(
        _ffn_body,
        grid_spec=grid_spec,
        out_shape=jax.ShapeDtypeStruct((NSLOT, D_OUT), jnp.float32),
    )(bexp.reshape(NB), nused.reshape(1), xs, W1,
      b1.reshape(N_EXP, 1, D_H), W2, b2.reshape(N_EXP, 1, D_OUT))

    s0 = slot0.reshape(N_TOK)
    s1 = slot1.reshape(N_TOK)
    out = ew[:, 0:1] * y[s0] + ew[:, 1:2] * y[s1]
    return out, probs

# --- scband reference (transcript-rebuilt; emitter-appended) ---
"""Pipeline reference for scband-smo-egate-net-36361193128717 (READ-ONLY COPY).

The authoritative reference and input builder live on the scoring server;
editing this copy changes nothing except your own understanding.
"""

import jax, jax.numpy as jnp
import numpy as np

INPUT_DIM = 2048
MARKET_DIM = 16
N_EXPERTS = 8
TOP_K = 2
EXPERT_DIM = 1024
OUTPUT_DIM = 512
N_TOK = 2048


def setup_inputs(seed: int = 0) -> dict:
    key = jax.random.key(seed)
    ks = jax.random.split(key, 8)
    x = jax.random.normal(ks[0], (N_TOK, INPUT_DIM), dtype=jnp.float32)
    market_status = jax.random.normal(ks[1], (N_TOK, MARKET_DIM), dtype=jnp.float32)
    W_g = jax.random.normal(ks[2], (INPUT_DIM + MARKET_DIM, N_EXPERTS), dtype=jnp.float32) * 0.02
    b_g = jnp.zeros((N_EXPERTS,), dtype=jnp.float32)
    W1 = jax.random.normal(ks[3], (N_EXPERTS, INPUT_DIM, EXPERT_DIM), dtype=jnp.float32) * 0.02
    b1 = jnp.zeros((N_EXPERTS, EXPERT_DIM), dtype=jnp.float32)
    W2 = jax.random.normal(ks[4], (N_EXPERTS, EXPERT_DIM, OUTPUT_DIM), dtype=jnp.float32) * 0.02
    b2 = jnp.zeros((N_EXPERTS, OUTPUT_DIM), dtype=jnp.float32)
    return {"x": x, "market_status": market_status, "W_g": W_g, "b_g": b_g,
            "W1": W1, "b1": b1, "W2": W2, "b2": b2}


def reference(x, market_status, W_g, b_g, W1, b1, W2, b2):
    # Gate (eval mode: no noise)
    gate_in = jnp.concatenate([x, market_status], axis=-1)
    gate_logits = gate_in @ W_g + b_g
    gate_probs = jax.nn.softmax(gate_logits, axis=-1)
    top_k_vals, top_k_idx = jax.lax.top_k(gate_probs, TOP_K)
    top_k_weights = top_k_vals / (jnp.sum(top_k_vals, axis=-1, keepdims=True) + 1e-8)
    # Experts: compute all expert outputs densely, then gather the selected ones.
    # Mathematically identical to the masked per-expert dispatch in the torch code.
    h = jnp.einsum('bi,eih->beh', x, W1) + b1[None, :, :]
    h = jax.nn.gelu(h, approximate=False)  # torch nn.GELU default = exact erf gelu
    expert_outs = jnp.einsum('beh,eho->beo', h, W2) + b2[None, :, :]  # [B, E, O]
    sel = jnp.take_along_axis(expert_outs, top_k_idx[:, :, None], axis=1)  # [B, K, O]
    output = jnp.sum(top_k_weights[:, :, None] * sel, axis=1)  # [B, O]
    return output, gate_probs

if __name__ == "__main__":
    import jax
    _d = setup_inputs()
    print(jax.jit(kernel)(*tuple(_d.values())))

</pallas_src>

<mosaic_0001>
#map = affine_map<(d0, d1) -> (0, 0)>
#map1 = affine_map<(d0, d1) -> (0, 0, 0)>
module attributes {stable_mosaic.version = 14 : i64} {
  func.func @_scatter_sc_body(%arg0: i32, %arg1: i32, %arg2: memref<2048x2048xf32, #tpu.memory_space<hbm>>, %arg3: memref<64x2x32xi32, #tpu.memory_space<hbm>>, %arg4: memref<8192x2048xf32, #tpu.memory_space<hbm>>, %arg5: memref<32x2048xf32, #tpu.memory_space<vmem>>, %arg6: memref<2x32xi32, #tpu.memory_space<vmem>>, %arg7: memref<!tpu.dma_semaphore, #tpu.memory_space<semaphore_mem>>) attributes {dimension_semantics = [#tpu.dimension_semantics<core_parallel>, #tpu.dimension_semantics<subcore_parallel>], iteration_bounds = array<i64: 2, 16>, scalar_prefetch = 0 : i64, scratch_operands = 3 : i64, tpu.core_type = #tpu.core_type<sc_vector_subcore>, window_params = [{transform_indices = #map}, {transform_indices = #map1}, {transform_indices = #map}]} {
    %mul3A = arith.constant 2 : i32
    %mul3A_0 = arith.muli %arg1, %mul3A : i32
    %add3A = arith.addi %mul3A_0, %arg0 : i32
    %mul3A_1 = arith.constant 2 : i32
    %mul3A_2 = arith.muli %add3A, %mul3A_1 : i32
    %add3A_3 = arith.constant 0 : i32
    %add3A_4 = arith.addi %mul3A_2, %add3A_3 : i32
    %mul3A_5 = arith.constant 32 : i32
    %mul3A_6 = arith.muli %add3A_4, %mul3A_5 : i32
    "tpu.region"() ({
      %run_scoped3A = tpu.sem_alloc : memref<!tpu.dma_semaphore, #tpu.memory_space<semaphore_mem>>
      %dma_start3A_67 = arith.constant 0 : i32
      %dma_start3A_68 = tpu.memref_slice %arg2[%mul3A_6, %dma_start3A_67] : memref<2048x2048xf32, #tpu.memory_space<hbm>> -> memref<32x2048xf32, #tpu.memory_space<hbm>>
      %dma_start3A_69 = arith.constant 0 : i32
      %dma_start3A_70 = tpu.memref_slice %arg2[%mul3A_6, %dma_start3A_69] : memref<2048x2048xf32, #tpu.memory_space<hbm>> -> memref<32x2048xf32, #tpu.memory_space<hbm>>
      tpu.enqueue_dma source(%dma_start3A_70 : memref<32x2048xf32, #tpu.memory_space<hbm>>) target(%arg5 : memref<32x2048xf32, #tpu.memory_space<vmem>>) target_semaphore(%run_scoped3A : memref<!tpu.dma_semaphore, #tpu.memory_space<semaphore_mem>>)
      %dma_wait3A_71 = arith.constant 0 : i32
      %dma_wait3A_72 = tpu.memref_slice %arg2[%mul3A_6, %dma_wait3A_71] : memref<2048x2048xf32, #tpu.memory_space<hbm>> -> memref<32x2048xf32, #tpu.memory_space<hbm>>
      %dma_wait3A_73 = arith.constant 0 : i32
      %dma_wait3A_74 = tpu.memref_slice %arg2[%mul3A_6, %dma_wait3A_73] : memref<2048x2048xf32, #tpu.memory_space<hbm>> -> memref<32x2048xf32, #tpu.memory_space<hbm>>
      tpu.wait_dma2 semaphore(%run_scoped3A : memref<!tpu.dma_semaphore, #tpu.memory_space<semaphore_mem>>) src(%dma_wait3A_74 : memref<32x2048xf32, #tpu.memory_space<hbm>>) dst(%arg5 : memref<32x2048xf32, #tpu.memory_space<vmem>>)
      tpu.yield
    }) : () -> ()
    "tpu.region"() ({
      %run_scoped3A = tpu.sem_alloc : memref<!tpu.dma_semaphore, #tpu.memory_space<semaphore_mem>>
      %dma_start3A_67 = arith.constant 0 : i32
      %dma_start3A_68 = arith.constant 0 : i32
      %dma_start3A_69 = tpu.memref_slice %arg3[%add3A_4, %dma_start3A_67, %dma_start3A_68] : memref<64x2x32xi32, #tpu.memory_space<hbm>> -> memref<1x2x32xi32, #tpu.memory_space<hbm>>
      %dma_start3A_70 = tpu.memref_squeeze %dma_start3A_69 : memref<1x2x32xi32, #tpu.memory_space<hbm>> -> memref<2x32xi32, #tpu.memory_space<hbm>>
      %dma_start3A_71 = arith.constant 0 : i32
      %dma_start3A_72 = arith.constant 0 : i32
      %dma_start3A_73 = tpu.memref_slice %arg3[%add3A_4, %dma_start3A_71, %dma_start3A_72] : memref<64x2x32xi32, #tpu.memory_space<hbm>> -> memref<1x2x32xi32, #tpu.memory_space<hbm>>
      %dma_start3A_74 = tpu.memref_squeeze %dma_start3A_73 : memref<1x2x32xi32, #tpu.memory_space<hbm>> -> memref<2x32xi32, #tpu.memory_space<hbm>>
      tpu.enqueue_dma source(%dma_start3A_74 : memref<2x32xi32, #tpu.memory_space<hbm>>) target(%arg6 : memref<2x32xi32, #tpu.memory_space<vmem>>) target_semaphore(%run_scoped3A : memref<!tpu.dma_semaphore, #tpu.memory_space<semaphore_mem>>)
      %dma_wait3A_75 = arith.constant 0 : i32
      %dma_wait3A_76 = arith.constant 0 : i32
      %dma_wait3A_77 = tpu.memref_slice %arg3[%add3A_4, %dma_wait3A_75, %dma_wait3A_76] : memref<64x2x32xi32, #tpu.memory_space<hbm>> -> memref<1x2x32xi32, #tpu.memory_space<hbm>>
      %dma_wait3A_78 = tpu.memref_squeeze %dma_wait3A_77 : memref<1x2x32xi32, #tpu.memory_space<hbm>> -> memref<2x32xi32, #tpu.memory_space<hbm>>
      %dma_wait3A_79 = arith.constant 0 : i32
      %dma_wait3A_80 = arith.constant 0 : i32
      %dma_wait3A_81 = tpu.memref_slice %arg3[%add3A_4, %dma_wait3A_79, %dma_wait3A_80] : memref<64x2x32xi32, #tpu.memory_space<hbm>> -> memref<1x2x32xi32, #tpu.memory_space<hbm>>
      %dma_wait3A_82 = tpu.memref_squeeze %dma_wait3A_81 : memref<1x2x32xi32, #tpu.memory_space<hbm>> -> memref<2x32xi32, #tpu.memory_space<hbm>>
      tpu.wait_dma2 semaphore(%run_scoped3A : memref<!tpu.dma_semaphore, #tpu.memory_space<semaphore_mem>>) src(%dma_wait3A_82 : memref<2x32xi32, #tpu.memory_space<hbm>>) dst(%arg6 : memref<2x32xi32, #tpu.memory_space<vmem>>)
      tpu.yield
    }) : () -> ()
    %dma_start3A = arith.constant 0 : i32
    %dma_start3A_7 = arith.constant 0 : i32
    %dma_start3A_8 = tpu.memref_slice %arg6[%dma_start3A, %dma_start3A_7] : memref<2x32xi32, #tpu.memory_space<vmem>> -> memref<1x32xi32, #tpu.memory_space<vmem>>
    %dma_start3A_9 = tpu.memref_squeeze %dma_start3A_8 : memref<1x32xi32, #tpu.memory_space<vmem>> -> memref<32xi32, #tpu.memory_space<vmem>>
    %dma_start3A_10 = arith.constant 0 : i32
    %dma_start3A_11 = arith.constant 0 : i32
    %dma_start3A_12 = tpu.memref_slice %arg4[%dma_start3A_10, %dma_start3A_11] : memref<8192x2048xf32, #tpu.memory_space<hbm>> -> memref<8192x2048xf32, #tpu.memory_space<hbm>>
    tpu.enqueue_indirect_dma source(%arg5 : memref<32x2048xf32, #tpu.memory_space<vmem>>) target(%dma_start3A_12 : memref<8192x2048xf32, #tpu.memory_space<hbm>>) offsets(%dma_start3A_9 : memref<32xi32, #tpu.memory_space<vmem>>) semaphore(%arg7 : memref<!tpu.dma_semaphore, #tpu.memory_space<semaphore_mem>>)
    %dma_start3A_13 = arith.constant 1 : i32
    %dma_start3A_14 = arith.constant 0 : i32
    %dma_start3A_15 = tpu.memref_slice %arg6[%dma_start3A_13, %dma_start3A_14] : memref<2x32xi32, #tpu.memory_space<vmem>> -> memref<1x32xi32, #tpu.memory_space<vmem>>
    %dma_start3A_16 = tpu.memref_squeeze %dma_start3A_15 : memref<1x32xi32, #tpu.memory_space<vmem>> -> memref<32xi32, #tpu.memory_space<vmem>>
    %dma_start3A_17 = arith.constant 0 : i32
    %dma_start3A_18 = arith.constant 0 : i32
    %dma_start3A_19 = tpu.memref_slice %arg4[%dma_start3A_17, %dma_start3A_18] : memref<8192x2048xf32, #tpu.memory_space<hbm>> -> memref<8192x2048xf32, #tpu.memory_space<hbm>>
    tpu.enqueue_indirect_dma source(%arg5 : memref<32x2048xf32, #tpu.memory_space<vmem>>) target(%dma_start3A_19 : memref<8192x2048xf32, #tpu.memory_space<hbm>>) offsets(%dma_start3A_16 : memref<32xi32, #tpu.memory_space<vmem>>) semaphore(%arg7 : memref<!tpu.dma_semaphore, #tpu.memory_space<semaphore_mem>>)
    %dma_wait3A = arith.constant 0 : i32
    %dma_wait3A_20 = arith.constant 0 : i32
    %dma_wait3A_21 = tpu.memref_slice %arg6[%dma_wait3A, %dma_wait3A_20] : memref<2x32xi32, #tpu.memory_space<vmem>> -> memref<1x32xi32, #tpu.memory_space<vmem>>
    %dma_wait3A_22 = tpu.memref_squeeze %dma_wait3A_21 : memref<1x32xi32, #tpu.memory_space<vmem>> -> memref<32xi32, #tpu.memory_space<vmem>>
    %dma_wait3A_23 = arith.constant 0 : i32
    %dma_wait3A_24 = arith.constant 0 : i32
    %dma_wait3A_25 = tpu.memref_slice %arg4[%dma_wait3A_23, %dma_wait3A_24] : memref<8192x2048xf32, #tpu.memory_space<hbm>> -> memref<8192x2048xf32, #tpu.memory_space<hbm>>
    tpu.wait_indirect_dma semaphore(%arg7 : memref<!tpu.dma_semaphore, #tpu.memory_space<semaphore_mem>>) src(%arg5 : memref<32x2048xf32, #tpu.memory_space<vmem>>) dst(%dma_wait3A_25 : memref<8192x2048xf32, #tpu.memory_space<hbm>>)
    %dma_wait3A_26 = arith.constant 1 : i32
    %dma_wait3A_27 = arith.constant 0 : i32
    %dma_wait3A_28 = tpu.memref_slice %arg6[%dma_wait3A_26, %dma_wait3A_27] : memref<2x32xi32, #tpu.memory_space<vmem>> -> memref<1x32xi32, #tpu.memory_space<vmem>>
    %dma_wait3A_29 = tpu.memref_squeeze %dma_wait3A_28 : memref<1x32xi32, #tpu.memory_space<vmem>> -> memref<32xi32, #tpu.memory_space<vmem>>
    %dma_wait3A_30 = arith.constant 0 : i32
    %dma_wait3A_31 = arith.constant 0 : i32
    %dma_wait3A_32 = tpu.memref_slice %arg4[%dma_wait3A_30, %dma_wait3A_31] : memref<8192x2048xf32, #tpu.memory_space<hbm>> -> memref<8192x2048xf32, #tpu.memory_space<hbm>>
    tpu.wait_indirect_dma semaphore(%arg7 : memref<!tpu.dma_semaphore, #tpu.memory_space<semaphore_mem>>) src(%arg5 : memref<32x2048xf32, #tpu.memory_space<vmem>>) dst(%dma_wait3A_32 : memref<8192x2048xf32, #tpu.memory_space<hbm>>)
    %mul3A_33 = arith.constant 2 : i32
    %mul3A_34 = arith.muli %add3A, %mul3A_33 : i32
    %add3A_35 = arith.constant 1 : i32
    %add3A_36 = arith.addi %mul3A_34, %add3A_35 : i32
    %mul3A_37 = arith.constant 32 : i32
    %mul3A_38 = arith.muli %add3A_36, %mul3A_37 : i32
    "tpu.region"() ({
      %run_scoped3A = tpu.sem_alloc : memref<!tpu.dma_semaphore, #tpu.memory_space<semaphore_mem>>
      %dma_start3A_67 = arith.constant 0 : i32
      %dma_start3A_68 = tpu.memref_slice %arg2[%mul3A_38, %dma_start3A_67] : memref<2048x2048xf32, #tpu.memory_space<hbm>> -> memref<32x2048xf32, #tpu.memory_space<hbm>>
      %dma_start3A_69 = arith.constant 0 : i32
      %dma_start3A_70 = tpu.memref_slice %arg2[%mul3A_38, %dma_start3A_69] : memref<2048x2048xf32, #tpu.memory_space<hbm>> -> memref<32x2048xf32, #tpu.memory_space<hbm>>
      tpu.enqueue_dma source(%dma_start3A_70 : memref<32x2048xf32, #tpu.memory_space<hbm>>) target(%arg5 : memref<32x2048xf32, #tpu.memory_space<vmem>>) target_semaphore(%run_scoped3A : memref<!tpu.dma_semaphore, #tpu.memory_space<semaphore_mem>>)
      %dma_wait3A_71 = arith.constant 0 : i32
      %dma_wait3A_72 = tpu.memref_slice %arg2[%mul3A_38, %dma_wait3A_71] : memref<2048x2048xf32, #tpu.memory_space<hbm>> -> memref<32x2048xf32, #tpu.memory_space<hbm>>
      %dma_wait3A_73 = arith.constant 0 : i32
      %dma_wait3A_74 = tpu.memref_slice %arg2[%mul3A_38, %dma_wait3A_73] : memref<2048x2048xf32, #tpu.memory_space<hbm>> -> memref<32x2048xf32, #tpu.memory_space<hbm>>
      tpu.wait_dma2 semaphore(%run_scoped3A : memref<!tpu.dma_semaphore, #tpu.memory_space<semaphore_mem>>) src(%dma_wait3A_74 : memref<32x2048xf32, #tpu.memory_space<hbm>>) dst(%arg5 : memref<32x2048xf32, #tpu.memory_space<vmem>>)
      tpu.yield
    }) : () -> ()
    "tpu.region"() ({
      %run_scoped3A = tpu.sem_alloc : memref<!tpu.dma_semaphore, #tpu.memory_space<semaphore_mem>>
      %dma_start3A_67 = arith.constant 0 : i32
      %dma_start3A_68 = arith.constant 0 : i32
      %dma_start3A_69 = tpu.memref_slice %arg3[%add3A_36, %dma_start3A_67, %dma_start3A_68] : memref<64x2x32xi32, #tpu.memory_space<hbm>> -> memref<1x2x32xi32, #tpu.memory_space<hbm>>
      %dma_start3A_70 = tpu.memref_squeeze %dma_start3A_69 : memref<1x2x32xi32, #tpu.memory_space<hbm>> -> memref<2x32xi32, #tpu.memory_space<hbm>>
      %dma_start3A_71 = arith.constant 0 : i32
      %dma_start3A_72 = arith.constant 0 : i32
      %dma_start3A_73 = tpu.memref_slice %arg3[%add3A_36, %dma_start3A_71, %dma_start3A_72] : memref<64x2x32xi32, #tpu.memory_space<hbm>> -> memref<1x2x32xi32, #tpu.memory_space<hbm>>
      %dma_start3A_74 = tpu.memref_squeeze %dma_start3A_73 : memref<1x2x32xi32, #tpu.memory_space<hbm>> -> memref<2x32xi32, #tpu.memory_space<hbm>>
      tpu.enqueue_dma source(%dma_start3A_74 : memref<2x32xi32, #tpu.memory_space<hbm>>) target(%arg6 : memref<2x32xi32, #tpu.memory_space<vmem>>) target_semaphore(%run_scoped3A : memref<!tpu.dma_semaphore, #tpu.memory_space<semaphore_mem>>)
      %dma_wait3A_75 = arith.constant 0 : i32
      %dma_wait3A_76 = arith.constant 0 : i32
      %dma_wait3A_77 = tpu.memref_slice %arg3[%add3A_36, %dma_wait3A_75, %dma_wait3A_76] : memref<64x2x32xi32, #tpu.memory_space<hbm>> -> memref<1x2x32xi32, #tpu.memory_space<hbm>>
      %dma_wait3A_78 = tpu.memref_squeeze %dma_wait3A_77 : memref<1x2x32xi32, #tpu.memory_space<hbm>> -> memref<2x32xi32, #tpu.memory_space<hbm>>
      %dma_wait3A_79 = arith.constant 0 : i32
      %dma_wait3A_80 = arith.constant 0 : i32
      %dma_wait3A_81 = tpu.memref_slice %arg3[%add3A_36, %dma_wait3A_79, %dma_wait3A_80] : memref<64x2x32xi32, #tpu.memory_space<hbm>> -> memref<1x2x32xi32, #tpu.memory_space<hbm>>
      %dma_wait3A_82 = tpu.memref_squeeze %dma_wait3A_81 : memref<1x2x32xi32, #tpu.memory_space<hbm>> -> memref<2x32xi32, #tpu.memory_space<hbm>>
      tpu.wait_dma2 semaphore(%run_scoped3A : memref<!tpu.dma_semaphore, #tpu.memory_space<semaphore_mem>>) src(%dma_wait3A_82 : memref<2x32xi32, #tpu.memory_space<hbm>>) dst(%arg6 : memref<2x32xi32, #tpu.memory_space<vmem>>)
      tpu.yield
    }) : () -> ()
    %dma_start3A_39 = arith.constant 0 : i32
    %dma_start3A_40 = arith.constant 0 : i32
    %dma_start3A_41 = tpu.memref_slice %arg6[%dma_start3A_39, %dma_start3A_40] : memref<2x32xi32, #tpu.memory_space<vmem>> -> memref<1x32xi32, #tpu.memory_space<vmem>>
    %dma_start3A_42 = tpu.memref_squeeze %dma_start3A_41 : memref<1x32xi32, #tpu.memory_space<vmem>> -> memref<32xi32, #tpu.memory_space<vmem>>
    %dma_start3A_43 = arith.constant 0 : i32
    %dma_start3A_44 = arith.constant 0 : i32
    %dma_start3A_45 = tpu.memref_slice %arg4[%dma_start3A_43, %dma_start3A_44] : memref<8192x2048xf32, #tpu.memory_space<hbm>> -> memref<8192x2048xf32, #tpu.memory_space<hbm>>
    tpu.enqueue_indirect_dma source(%arg5 : memref<32x2048xf32, #tpu.memory_space<vmem>>) target(%dma_start3A_45 : memref<8192x2048xf32, #tpu.memory_space<hbm>>) offsets(%dma_start3A_42 : memref<32xi32, #tpu.memory_space<vmem>>) semaphore(%arg7 : memref<!tpu.dma_semaphore, #tpu.memory_space<semaphore_mem>>)
    %dma_start3A_46 = arith.constant 1 : i32
    %dma_start3A_47 = arith.constant 0 : i32
    %dma_start3A_48 = tpu.memref_slice %arg6[%dma_start3A_46, %dma_start3A_47] : memref<2x32xi32, #tpu.memory_space<vmem>> -> memref<1x32xi32, #tpu.memory_space<vmem>>
    %dma_start3A_49 = tpu.memref_squeeze %dma_start3A_48 : memref<1x32xi32, #tpu.memory_space<vmem>> -> memref<32xi32, #tpu.memory_space<vmem>>
    %dma_start3A_50 = arith.constant 0 : i32
    %dma_start3A_51 = arith.constant 0 : i32
    %dma_start3A_52 = tpu.memref_slice %arg4[%dma_start3A_50, %dma_start3A_51] : memref<8192x2048xf32, #tpu.memory_space<hbm>> -> memref<8192x2048xf32, #tpu.memory_space<hbm>>
    tpu.enqueue_indirect_dma source(%arg5 : memref<32x2048xf32, #tpu.memory_space<vmem>>) target(%dma_start3A_52 : memref<8192x2048xf32, #tpu.memory_space<hbm>>) offsets(%dma_start3A_49 : memref<32xi32, #tpu.memory_space<vmem>>) semaphore(%arg7 : memref<!tpu.dma_semaphore, #tpu.memory_space<semaphore_mem>>)
    %dma_wait3A_53 = arith.constant 0 : i32
    %dma_wait3A_54 = arith.constant 0 : i32
    %dma_wait3A_55 = tpu.memref_slice %arg6[%dma_wait3A_53, %dma_wait3A_54] : memref<2x32xi32, #tpu.memory_space<vmem>> -> memref<1x32xi32, #tpu.memory_space<vmem>>
    %dma_wait3A_56 = tpu.memref_squeeze %dma_wait3A_55 : memref<1x32xi32, #tpu.memory_space<vmem>> -> memref<32xi32, #tpu.memory_space<vmem>>
    %dma_wait3A_57 = arith.constant 0 : i32
    %dma_wait3A_58 = arith.constant 0 : i32
    %dma_wait3A_59 = tpu.memref_slice %arg4[%dma_wait3A_57, %dma_wait3A_58] : memref<8192x2048xf32, #tpu.memory_space<hbm>> -> memref<8192x2048xf32, #tpu.memory_space<hbm>>
    tpu.wait_indirect_dma semaphore(%arg7 : memref<!tpu.dma_semaphore, #tpu.memory_space<semaphore_mem>>) src(%arg5 : memref<32x2048xf32, #tpu.memory_space<vmem>>) dst(%dma_wait3A_59 : memref<8192x2048xf32, #tpu.memory_space<hbm>>)
    %dma_wait3A_60 = arith.constant 1 : i32
    %dma_wait3A_61 = arith.constant 0 : i32
    %dma_wait3A_62 = tpu.memref_slice %arg6[%dma_wait3A_60, %dma_wait3A_61] : memref<2x32xi32, #tpu.memory_space<vmem>> -> memref<1x32xi32, #tpu.memory_space<vmem>>
    %dma_wait3A_63 = tpu.memref_squeeze %dma_wait3A_62 : memref<1x32xi32, #tpu.memory_space<vmem>> -> memref<32xi32, #tpu.memory_space<vmem>>
    %dma_wait3A_64 = arith.constant 0 : i32
    %dma_wait3A_65 = arith.constant 0 : i32
    %dma_wait3A_66 = tpu.memref_slice %arg4[%dma_wait3A_64, %dma_wait3A_65] : memref<8192x2048xf32, #tpu.memory_space<hbm>> -> memref<8192x2048xf32, #tpu.memory_space<hbm>>
    tpu.wait_indirect_dma semaphore(%arg7 : memref<!tpu.dma_semaphore, #tpu.memory_space<semaphore_mem>>) src(%arg5 : memref<32x2048xf32, #tpu.memory_space<vmem>>) dst(%dma_wait3A_66 : memref<8192x2048xf32, #tpu.memory_space<hbm>>)
    return
  }
}

module attributes {stable_mosaic.version = 14 : i64} {
  func.func @_gate_route_body(%arg0: memref<2048x2048xf32, #tpu.memory_space<vmem>>, %arg1: memref<2048x16xf32, #tpu.memory_space<vmem>>, %arg2: memref<2048x8xf32, #tpu.memory_space<vmem>>, %arg3: memref<16x8xf32, #tpu.memory_space<vmem>>, %arg4: memref<1x8xf32, #tpu.memory_space<vmem>>, %arg5: memref<2048x8xf32, #tpu.memory_space<vmem>>, %arg6: memref<2048x1xi32, #tpu.memory_space<vmem>>, %arg7: memref<2048x1xi32, #tpu.memory_space<vmem>>, %arg8: memref<2048x2xf32, #tpu.memory_space<vmem>>, %arg9: memref<16x1xi32, #tpu.memory_space<vmem>>, %arg10: memref<1x1xi32, #tpu.memory_space<vmem>>) attributes {dimension_semantics = [], scalar_prefetch = 0 : i64, scratch_operands = 0 : i64, tpu.core_type = #tpu.core_type<tc>} {
    %get3A = arith.constant 0 : index
    %get3A_0 = arith.constant 0 : index
    %get3A_1 = vector.load %arg0[%get3A, %get3A_0] : memref<2048x2048xf32, #tpu.memory_space<vmem>>, vector<2048x2048xf32>
    %get3A_2 = arith.constant 0 : index
    %get3A_3 = arith.constant 0 : index
    %get3A_4 = vector.load %arg2[%get3A_2, %get3A_3] : memref<2048x8xf32, #tpu.memory_space<vmem>>, vector<2048x8xf32>
    %dot_general3A = arith.constant dense<0.000000e+00> : vector<2048x8xf32>
    %dot_general3A_5 = tpu.matmul %get3A_1, %get3A_4, %dot_general3A {dimension_numbers = #tpu.dot_dimension_numbers<[1], [0], [0], [1], [0, 0, 1, 1], [], []>, transpose_lhs_hint = false} : vector<2048x2048xf32>, vector<2048x8xf32>, vector<2048x8xf32> -> vector<2048x8xf32>
    %get3A_6 = arith.constant 0 : index
    %get3A_7 = arith.constant 0 : index
    %get3A_8 = vector.load %arg1[%get3A_6, %get3A_7] : memref<2048x16xf32, #tpu.memory_space<vmem>>, vector<2048x16xf32>
    %get3A_9 = arith.constant 0 : index
    %get3A_10 = arith.constant 0 : index
    %get3A_11 = vector.load %arg3[%get3A_9, %get3A_10] : memref<16x8xf32, #tpu.memory_space<vmem>>, vector<16x8xf32>
    %dot_general3A_12 = arith.constant dense<0.000000e+00> : vector<2048x8xf32>
    %dot_general3A_13 = tpu.matmul %get3A_8, %get3A_11, %dot_general3A_12 {dimension_numbers = #tpu.dot_dimension_numbers<[1], [0], [0], [1], [0, 0, 1, 1], [], []>, transpose_lhs_hint = false} : vector<2048x16xf32>, vector<16x8xf32>, vector<2048x8xf32> -> vector<2048x8xf32>
    %add3A = arith.addf %dot_general3A_5, %dot_general3A_13 : vector<2048x8xf32>
    %get3A_14 = arith.constant 0 : index
    %get3A_15 = arith.constant 0 : index
    %get3A_16 = vector.load %arg4[%get3A_14, %get3A_15] : memref<1x8xf32, #tpu.memory_space<vmem>>, vector<1x8xf32>
    %add3A_17 = vector.broadcast %get3A_16 : vector<1x8xf32> to vector<2048x8xf32>
    %add3A_18 = arith.addf %add3A, %add3A_17 : vector<2048x8xf32>
    %reduce_max3A = arith.constant dense<0xFF800000> : vector<2048xf32>
    %reduce_max3A_19 = vector.multi_reduction <maximumf>, %add3A_18, %reduce_max3A [1] : vector<2048x8xf32> to vector<2048xf32>
    %broadcast_in_dim3A = vector.shape_cast %reduce_max3A_19 : vector<2048xf32> to vector<2048x1xf32>
    %sub3A = vector.broadcast %broadcast_in_dim3A : vector<2048x1xf32> to vector<2048x8xf32>
    %sub3A_20 = arith.subf %add3A_18, %sub3A : vector<2048x8xf32>
    %exp3A = math.exp %sub3A_20 : vector<2048x8xf32>
    %reduce_sum3A = arith.constant dense<0.000000e+00> : vector<2048xf32>
    %reduce_sum3A_21 = vector.multi_reduction <add>, %exp3A, %reduce_sum3A [1] : vector<2048x8xf32> to vector<2048xf32>
    %broadcast_in_dim3A_22 = vector.shape_cast %reduce_sum3A_21 : vector<2048xf32> to vector<2048x1xf32>
    %div3A = vector.broadcast %broadcast_in_dim3A_22 : vector<2048x1xf32> to vector<2048x8xf32>
    %div3A_23 = arith.divf %exp3A, %div3A : vector<2048x8xf32>
    %swap3A = arith.constant 0 : index
    %swap3A_24 = arith.constant 0 : index
    %swap3A_25 = vector.load %arg5[%swap3A, %swap3A_24] : memref<2048x8xf32, #tpu.memory_space<vmem>>, vector<2048x8xf32>
    tpu.vector_store %arg5[%swap3A, %swap3A_24], %div3A_23 {strides = array<i32>} : memref<2048x8xf32, #tpu.memory_space<vmem>>, vector<2048x8xf32>,
    %iota3A = tpu.iota {dimensions = array<i32: 1>} : vector<2048x8xi32>
    %reduce_max3A_26 = arith.constant dense<0xFF800000> : vector<2048xf32>
    %reduce_max3A_27 = vector.multi_reduction <maximumf>, %div3A_23, %reduce_max3A_26 [1] : vector<2048x8xf32> to vector<2048xf32>
    %broadcast_in_dim3A_28 = vector.shape_cast %reduce_max3A_27 : vector<2048xf32> to vector<2048x1xf32>
    %eq3A = vector.broadcast %broadcast_in_dim3A_28 : vector<2048x1xf32> to vector<2048x8xf32>
    %eq3A_29 = arith.cmpf oeq, %div3A_23, %eq3A : vector<2048x8xf32>
    %jit3A = arith.constant 8 : i32
    %broadcast_in_dim3A_30 = vector.broadcast %jit3A : i32 to vector<2048x8xi32>
    %select_n3A = arith.select %eq3A_29, %iota3A, %broadcast_in_dim3A_30 : vector<2048x8xi1>, vector<2048x8xi32>
    %reduce_min3A = arith.constant dense<2147483647> : vector<2048xi32>
    %reduce_min3A_31 = vector.multi_reduction <minsi>, %select_n3A, %reduce_min3A [1] : vector<2048x8xi32> to vector<2048xi32>
    %broadcast_in_dim3A_32 = vector.shape_cast %reduce_min3A_31 : vector<2048xi32> to vector<2048x1xi32>
    %eq3A_33 = vector.broadcast %broadcast_in_dim3A_32 : vector<2048x1xi32> to vector<2048x8xi32>
    %eq3A_34 = arith.cmpi eq, %iota3A, %eq3A_33 : vector<2048x8xi32>
    %jit3A_35 = arith.constant 0xFF800000 : f32
    %broadcast_in_dim3A_36 = vector.broadcast %jit3A_35 : f32 to vector<2048x8xf32>
    %select_n3A_37 = arith.select %eq3A_34, %broadcast_in_dim3A_36, %div3A_23 : vector<2048x8xi1>, vector<2048x8xf32>
    %reduce_max3A_38 = arith.constant dense<0xFF800000> : vector<2048xf32>
    %reduce_max3A_39 = vector.multi_reduction <maximumf>, %select_n3A_37, %reduce_max3A_38 [1] : vector<2048x8xf32> to vector<2048xf32>
    %broadcast_in_dim3A_40 = vector.shape_cast %reduce_max3A_39 : vector<2048xf32> to vector<2048x1xf32>
    %eq3A_41 = vector.broadcast %broadcast_in_dim3A_40 : vector<2048x1xf32> to vector<2048x8xf32>
    %eq3A_42 = arith.cmpf oeq, %select_n3A_37, %eq3A_41 : vector<2048x8xf32>
    %jit3A_43 = arith.constant 8 : i32
    %broadcast_in_dim3A_44 = vector.broadcast %jit3A_43 : i32 to vector<2048x8xi32>
    %select_n3A_45 = arith.select %eq3A_42, %iota3A, %broadcast_in_dim3A_44 : vector<2048x8xi1>, vector<2048x8xi32>
    %reduce_min3A_46 = arith.constant dense<2147483647> : vector<2048xi32>
    %reduce_min3A_47 = vector.multi_reduction <minsi>, %select_n3A_45, %reduce_min3A_46 [1] : vector<2048x8xi32> to vector<2048xi32>
    %broadcast_in_dim3A_48 = vector.shape_cast %reduce_min3A_47 : vector<2048xi32> to vector<2048x1xi32>
    %add3A_49 = arith.addf %broadcast_in_dim3A_28, %broadcast_in_dim3A_40 : vector<2048x1xf32>
    %add3A_50 = arith.constant 9.99999993E-9 : f32
    %add3A_51 = vector.broadcast %add3A_50 : f32 to vector<2048x1xf32>
    %add3A_52 = arith.addf %add3A_49, %add3A_51 : vector<2048x1xf32>
    %div3A_53 = arith.divf %broadcast_in_dim3A_28, %add3A_52 : vector<2048x1xf32>
    %div3A_54 = arith.divf %broadcast_in_dim3A_40, %add3A_52 : vector<2048x1xf32>
    %concatenate3A = tpu.concatenate %div3A_53, %div3A_54 in 1 : vector<2048x1xf32>, vector<2048x1xf32> -> vector<2048x2xf32>
    %swap3A_55 = arith.constant 0 : index
    %swap3A_56 = arith.constant 0 : index
    %swap3A_57 = vector.load %arg8[%swap3A_55, %swap3A_56] : memref<2048x2xf32, #tpu.memory_space<vmem>>, vector<2048x2xf32>
    tpu.vector_store %arg8[%swap3A_55, %swap3A_56], %concatenate3A {strides = array<i32>} : memref<2048x2xf32, #tpu.memory_space<vmem>>, vector<2048x2xf32>,
    %eq3A_58 = vector.broadcast %broadcast_in_dim3A_32 : vector<2048x1xi32> to vector<2048x8xi32>
    %eq3A_59 = arith.cmpi eq, %eq3A_58, %iota3A : vector<2048x8xi32>
    %convert_element_type3A = arith.extui %eq3A_59 : vector<2048x8xi1> to vector<2048x8xi32>
    %convert_element_type3A_60 = arith.sitofp %convert_element_type3A : vector<2048x8xi32> to vector<2048x8xf32>
    %eq3A_61 = vector.broadcast %broadcast_in_dim3A_48 : vector<2048x1xi32> to vector<2048x8xi32>
    %eq3A_62 = arith.cmpi eq, %eq3A_61, %iota3A : vector<2048x8xi32>
    %convert_element_type3A_63 = arith.extui %eq3A_62 : vector<2048x8xi1> to vector<2048x8xi32>
    %convert_element_type3A_64 = arith.sitofp %convert_element_type3A_63 : vector<2048x8xi32> to vector<2048x8xf32>
    %add3A_65 = arith.addf %convert_element_type3A_60, %convert_element_type3A_64 : vector<2048x8xf32>
    %iota3A_66 = tpu.iota {dimensions = array<i32: 0>} : vector<256x256xi32>
    %iota3A_67 = tpu.iota {dimensions = array<i32: 1>} : vector<256x256xi32>
    %lt3A = arith.cmpi slt, %iota3A_67, %iota3A_66 : vector<256x256xi32>
    %convert_element_type3A_68 = arith.extui %lt3A : vector<256x256xi1> to vector<256x256xi32>
    %convert_element_type3A_69 = arith.sitofp %convert_element_type3A_68 : vector<256x256xi32> to vector<256x256xf32>
    %broadcast_in_dim3A_70 = arith.constant 0.000000e+00 : f32
    %broadcast_in_dim3A_71 = vector.broadcast %broadcast_in_dim3A_70 : f32 to vector<1x8xf32>
    %slice3A = vector.extract_strided_slice %add3A_65 {offsets = [0, 0], sizes = [256, 8], strides = [1, 1]} : vector<2048x8xf32> to vector<256x8xf32>
    %dot_general3A_72 = arith.constant dense<0.000000e+00> : vector<256x8xf32>
    %dot_general3A_73 = tpu.matmul %convert_element_type3A_69, %slice3A, %dot_general3A_72 {dimension_numbers = #tpu.dot_dimension_numbers<[1], [0], [0], [1], [0, 0, 1, 1], [], []>, transpose_lhs_hint = false} : vector<256x256xf32>, vector<256x8xf32>, vector<256x8xf32> -> vector<256x8xf32>
    %add3A_74 = vector.broadcast %broadcast_in_dim3A_71 : vector<1x8xf32> to vector<256x8xf32>
    %add3A_75 = arith.addf %dot_general3A_73, %add3A_74 : vector<256x8xf32>
    %reduce_sum3A_76 = arith.constant dense<0.000000e+00> : vector<8xf32>
    %reduce_sum3A_77 = vector.multi_reduction <add>, %slice3A, %reduce_sum3A_76 [0] : vector<256x8xf32> to vector<8xf32>
    %broadcast_in_dim3A_78 = vector.shape_cast %reduce_sum3A_77 : vector<8xf32> to vector<1x8xf32>
    %add3A_79 = arith.addf %broadcast_in_dim3A_71, %broadcast_in_dim3A_78 : vector<1x8xf32>
    %slice3A_80 = vector.extract_strided_slice %add3A_65 {offsets = [256, 0], sizes = [256, 8], strides = [1, 1]} : vector<2048x8xf32> to vector<256x8xf32>
    %dot_general3A_81 = arith.constant dense<0.000000e+00> : vector<256x8xf32>
    %dot_general3A_82 = tpu.matmul %convert_element_type3A_69, %slice3A_80, %dot_general3A_81 {dimension_numbers = #tpu.dot_dimension_numbers<[1], [0], [0], [1], [0, 0, 1, 1], [], []>, transpose_lhs_hint = false} : vector<256x256xf32>, vector<256x8xf32>, vector<256x8xf32> -> vector<256x8xf32>
    %add3A_83 = vector.broadcast %add3A_79 : vector<1x8xf32> to vector<256x8xf32>
    %add3A_84 = arith.addf %dot_general3A_82, %add3A_83 : vector<256x8xf32>
    %reduce_sum3A_85 = arith.constant dense<0.000000e+00> : vector<8xf32>
    %reduce_sum3A_86 = vector.multi_reduction <add>, %slice3A_80, %reduce_sum3A_85 [0] : vector<256x8xf32> to vector<8xf32>
    %broadcast_in_dim3A_87 = vector.shape_cast %reduce_sum3A_86 : vector<8xf32> to vector<1x8xf32>
    %add3A_88 = arith.addf %add3A_79, %broadcast_in_dim3A_87 : vector<1x8xf32>
    %slice3A_89 = vector.extract_strided_slice %add3A_65 {offsets = [512, 0], sizes = [256, 8], strides = [1, 1]} : vector<2048x8xf32> to vector<256x8xf32>
    %dot_general3A_90 = arith.constant dense<0.000000e+00> : vector<256x8xf32>
    %dot_general3A_91 = tpu.matmul %convert_element_type3A_69, %slice3A_89, %dot_general3A_90 {dimension_numbers = #tpu.dot_dimension_numbers<[1], [0], [0], [1], [0, 0, 1, 1], [], []>, transpose_lhs_hint = false} : vector<256x256xf32>, vector<256x8xf32>, vector<256x8xf32> -> vector<256x8xf32>
    %add3A_92 = vector.broadcast %add3A_88 : vector<1x8xf32> to vector<256x8xf32>
    %add3A_93 = arith.addf %dot_general3A_91, %add3A_92 : vector<256x8xf32>
    %reduce_sum3A_94 = arith.constant dense<0.000000e+00> : vector<8xf32>
    %reduce_sum3A_95 = vector.multi_reduction <add>, %slice3A_89, %reduce_sum3A_94 [0] : vector<256x8xf32> to vector<8xf32>
    %broadcast_in_dim3A_96 = vector.shape_cast %reduce_sum3A_95 : vector<8xf32> to vector<1x8xf32>
    %add3A_97 = arith.addf %add3A_88, %broadcast_in_dim3A_96 : vector<1x8xf32>
    %slice3A_98 = vector.extract_strided_slice %add3A_65 {offsets = [768, 0], sizes = [256, 8], strides = [1, 1]} : vector<2048x8xf32> to vector<256x8xf32>
    %dot_general3A_99 = arith.constant dense<0.000000e+00> : vector<256x8xf32>
    %dot_general3A_100 = tpu.matmul %convert_element_type3A_69, %slice3A_98, %dot_general3A_99 {dimension_numbers = #tpu.dot_dimension_numbers<[1], [0], [0], [1], [0, 0, 1, 1], [], []>, transpose_lhs_hint = false} : vector<256x256xf32>, vector<256x8xf32>, vector<256x8xf32> -> vector<256x8xf32>
    %add3A_101 = vector.broadcast %add3A_97 : vector<1x8xf32> to vector<256x8xf32>
    %add3A_102 = arith.addf %dot_general3A_100, %add3A_101 : vector<256x8xf32>
    %reduce_sum3A_103 = arith.constant dense<0.000000e+00> : vector<8xf32>
    %reduce_sum3A_104 = vector.multi_reduction <add>, %slice3A_98, %reduce_sum3A_103 [0] : vector<256x8xf32> to vector<8xf32>
    %broadcast_in_dim3A_105 = vector.shape_cast %reduce_sum3A_104 : vector<8xf32> to vector<1x8xf32>
    %add3A_106 = arith.addf %add3A_97, %broadcast_in_dim3A_105 : vector<1x8xf32>
    %slice3A_107 = vector.extract_strided_slice %add3A_65 {offsets = [1024, 0], sizes = [256, 8], strides = [1, 1]} : vector<2048x8xf32> to vector<256x8xf32>
    %dot_general3A_108 = arith.constant dense<0.000000e+00> : vector<256x8xf32>
    %dot_general3A_109 = tpu.matmul %convert_element_type3A_69, %slice3A_107, %dot_general3A_108 {dimension_numbers = #tpu.dot_dimension_numbers<[1], [0], [0], [1], [0, 0, 1, 1], [], []>, transpose_lhs_hint = false} : vector<256x256xf32>, vector<256x8xf32>, vector<256x8xf32> -> vector<256x8xf32>
    %add3A_110 = vector.broadcast %add3A_106 : vector<1x8xf32> to vector<256x8xf32>
    %add3A_111 = arith.addf %dot_general3A_109, %add3A_110 : vector<256x8xf32>
    %reduce_sum3A_112 = arith.constant dense<0.000000e+00> : vector<8xf32>
    %reduce_sum3A_113 = vector.multi_reduction <add>, %slice3A_107, %reduce_sum3A_112 [0] : vector<256x8xf32> to vector<8xf32>
    %broadcast_in_dim3A_114 = vector.shape_cast %reduce_sum3A_113 : vector<8xf32> to vector<1x8xf32>
    %add3A_115 = arith.addf %add3A_106, %broadcast_in_dim3A_114 : vector<1x8xf32>
    %slice3A_116 = vector.extract_strided_slice %add3A_65 {offsets = [1280, 0], sizes = [256, 8], strides = [1, 1]} : vector<2048x8xf32> to vector<256x8xf32>
    %dot_general3A_117 = arith.constant dense<0.000000e+00> : vector<256x8xf32>
    %dot_general3A_118 = tpu.matmul %convert_element_type3A_69, %slice3A_116, %dot_general3A_117 {dimension_numbers = #tpu.dot_dimension_numbers<[1], [0], [0], [1], [0, 0, 1, 1], [], []>, transpose_lhs_hint = false} : vector<256x256xf32>, vector<256x8xf32>, vector<256x8xf32> -> vector<256x8xf32>
    %add3A_119 = vector.broadcast %add3A_115 : vector<1x8xf32> to vector<256x8xf32>
    %add3A_120 = arith.addf %dot_general3A_118, %add3A_119 : vector<256x8xf32>
    %reduce_sum3A_121 = arith.constant dense<0.000000e+00> : vector<8xf32>
    %reduce_sum3A_122 = vector.multi_reduction <add>, %slice3A_116, %reduce_sum3A_121 [0] : vector<256x8xf32> to vector<8xf32>
    %broadcast_in_dim3A_123 = vector.shape_cast %reduce_sum3A_122 : vector<8xf32> to vector<1x8xf32>
    %add3A_124 = arith.addf %add3A_115, %broadcast_in_dim3A_123 : vector<1x8xf32>
    %slice3A_125 = vector.extract_strided_slice %add3A_65 {offsets = [1536, 0], sizes = [256, 8], strides = [1, 1]} : vector<2048x8xf32> to vector<256x8xf32>
    %dot_general3A_126 = arith.constant dense<0.000000e+00> : vector<256x8xf32>
    %dot_general3A_127 = tpu.matmul %convert_element_type3A_69, %slice3A_125, %dot_general3A_126 {dimension_numbers = #tpu.dot_dimension_numbers<[1], [0], [0], [1], [0, 0, 1, 1], [], []>, transpose_lhs_hint = false} : vector<256x256xf32>, vector<256x8xf32>, vector<256x8xf32> -> vector<256x8xf32>
    %add3A_128 = vector.broadcast %add3A_124 : vector<1x8xf32> to vector<256x8xf32>
    %add3A_129 = arith.addf %dot_general3A_127, %add3A_128 : vector<256x8xf32>
    %reduce_sum3A_130 = arith.constant dense<0.000000e+00> : vector<8xf32>
    %reduce_sum3A_131 = vector.multi_reduction <add>, %slice3A_125, %reduce_sum3A_130 [0] : vector<256x8xf32> to vector<8xf32>
    %broadcast_in_dim3A_132 = vector.shape_cast %reduce_sum3A_131 : vector<8xf32> to vector<1x8xf32>
    %add3A_133 = arith.addf %add3A_124, %broadcast_in_dim3A_132 : vector<1x8xf32>
    %slice3A_134 = vector.extract_strided_slice %add3A_65 {offsets = [1792, 0], sizes = [256, 8], strides = [1, 1]} : vector<2048x8xf32> to vector<256x8xf32>
    %dot_general3A_135 = arith.constant dense<0.000000e+00> : vector<256x8xf32>
    %dot_general3A_136 = tpu.matmul %convert_element_type3A_69, %slice3A_134, %dot_general3A_135 {dimension_numbers = #tpu.dot_dimension_numbers<[1], [0], [0], [1], [0, 0, 1, 1], [], []>, transpose_lhs_hint = false} : vector<256x256xf32>, vector<256x8xf32>, vector<256x8xf32> -> vector<256x8xf32>
    %add3A_137 = vector.broadcast %add3A_133 : vector<1x8xf32> to vector<256x8xf32>
    %add3A_138 = arith.addf %dot_general3A_136, %add3A_137 : vector<256x8xf32>
    %reduce_sum3A_139 = arith.constant dense<0.000000e+00> : vector<8xf32>
    %reduce_sum3A_140 = vector.multi_reduction <add>, %slice3A_134, %reduce_sum3A_139 [0] : vector<256x8xf32> to vector<8xf32>
    %broadcast_in_dim3A_141 = vector.shape_cast %reduce_sum3A_140 : vector<8xf32> to vector<1x8xf32>
    %add3A_142 = arith.addf %add3A_133, %broadcast_in_dim3A_141 : vector<1x8xf32>
    %concatenate3A_143 = tpu.concatenate %add3A_75, %add3A_84, %add3A_93, %add3A_102, %add3A_111, %add3A_120, %add3A_129, %add3A_138 in 0 : vector<256x8xf32>, vector<256x8xf32>, vector<256x8xf32>, vector<256x8xf32>, vector<256x8xf32>, vector<256x8xf32>, vector<256x8xf32>, vector<256x8xf32> -> vector<2048x8xf32>
    %add3A_144 = arith.constant 5.110000e+02 : f32
    %add3A_145 = vector.broadcast %add3A_144 : f32 to vector<1x8xf32>
    %add3A_146 = arith.addf %add3A_142, %add3A_145 : vector<1x8xf32>
    %mul3A = arith.constant 0.001953125 : f32
    %mul3A_147 = vector.broadcast %mul3A : f32 to vector<1x8xf32>
    %mul3A_148 = arith.mulf %add3A_146, %mul3A_147 : vector<1x8xf32>
    %floor3A = math.floor %mul3A_148 : vector<1x8xf32>
    %iota3A_149 = tpu.iota {dimensions = array<i32: 0>} : vector<8x8xi32>
    %iota3A_150 = tpu.iota {dimensions = array<i32: 1>} : vector<8x8xi32>
    %lt3A_151 = arith.cmpi slt, %iota3A_149, %iota3A_150 : vector<8x8xi32>
    %convert_element_type3A_152 = arith.extui %lt3A_151 : vector<8x8xi1> to vector<8x8xi32>
    %convert_element_type3A_153 = arith.sitofp %convert_element_type3A_152 : vector<8x8xi32> to vector<8x8xf32>
    %dot_general3A_154 = arith.constant dense<0.000000e+00> : vector<1x8xf32>
    %dot_general3A_155 = tpu.matmul %floor3A, %convert_element_type3A_153, %dot_general3A_154 {dimension_numbers = #tpu.dot_dimension_numbers<[1], [0], [0], [1], [0, 0, 1, 1], [], []>, transpose_lhs_hint = false} : vector<1x8xf32>, vector<8x8xf32>, vector<1x8xf32> -> vector<1x8xf32>
    %mul3A_156 = arith.constant 5.120000e+02 : f32
    %mul3A_157 = vector.broadcast %mul3A_156 : f32 to vector<1x8xf32>
    %mul3A_158 = arith.mulf %dot_general3A_155, %mul3A_157 : vector<1x8xf32>
    %add3A_159 = vector.broadcast %mul3A_158 : vector<1x8xf32> to vector<2048x8xf32>
    %add3A_160 = arith.addf %concatenate3A_143, %add3A_159 : vector<2048x8xf32>
    %mul3A_161 = arith.mulf %convert_element_type3A_60, %add3A_160 : vector<2048x8xf32>
    %reduce_sum3A_162 = arith.constant dense<0.000000e+00> : vector<2048xf32>
    %reduce_sum3A_163 = vector.multi_reduction <add>, %mul3A_161, %reduce_sum3A_162 [1] : vector<2048x8xf32> to vector<2048xf32>
    %broadcast_in_dim3A_164 = vector.shape_cast %reduce_sum3A_163 : vector<2048xf32> to vector<2048x1xf32>
    %add3A_165 = arith.addf %concatenate3A_143, %convert_element_type3A_60 : vector<2048x8xf32>
    %add3A_166 = vector.broadcast %mul3A_158 : vector<1x8xf32> to vector<2048x8xf32>
    %add3A_167 = arith.addf %add3A_165, %add3A_166 : vector<2048x8xf32>
    %mul3A_168 = arith.mulf %convert_element_type3A_64, %add3A_167 : vector<2048x8xf32>
    %reduce_sum3A_169 = arith.constant dense<0.000000e+00> : vector<2048xf32>
    %reduce_sum3A_170 = vector.multi_reduction <add>, %mul3A_168, %reduce_sum3A_169 [1] : vector<2048x8xf32> to vector<2048xf32>
    %broadcast_in_dim3A_171 = vector.shape_cast %reduce_sum3A_170 : vector<2048xf32> to vector<2048x1xf32>
    %convert_element_type3A_172 = arith.fptosi %broadcast_in_dim3A_164 : vector<2048x1xf32> to vector<2048x1xi32>
    %swap3A_173 = arith.constant 0 : index
    %swap3A_174 = arith.constant 0 : index
    %swap3A_175 = vector.load %arg6[%swap3A_173, %swap3A_174] : memref<2048x1xi32, #tpu.memory_space<vmem>>, vector<2048x1xi32>
    tpu.vector_store %arg6[%swap3A_173, %swap3A_174], %convert_element_type3A_172 {strides = array<i32>} : memref<2048x1xi32, #tpu.memory_space<vmem>>, vector<2048x1xi32>,
    %convert_element_type3A_176 = arith.fptosi %broadcast_in_dim3A_171 : vector<2048x1xf32> to vector<2048x1xi32>
    %swap3A_177 = arith.constant 0 : index
    %swap3A_178 = arith.constant 0 : index
    %swap3A_179 = vector.load %arg7[%swap3A_177, %swap3A_178] : memref<2048x1xi32, #tpu.memory_space<vmem>>, vector<2048x1xi32>
    tpu.vector_store %arg7[%swap3A_177, %swap3A_178], %convert_element_type3A_176 {strides = array<i32>} : memref<2048x1xi32, #tpu.memory_space<vmem>>, vector<2048x1xi32>,
    %iota3A_180 = tpu.iota {dimensions = array<i32: 0>} : vector<16x8xi32>
    %convert_element_type3A_181 = arith.sitofp %iota3A_180 : vector<16x8xi32> to vector<16x8xf32>
    %add3A_182 = arith.constant 5.000000e-01 : f32
    %add3A_183 = vector.broadcast %add3A_182 : f32 to vector<16x8xf32>
    %add3A_184 = arith.addf %convert_element_type3A_181, %add3A_183 : vector<16x8xf32>
    %le3A = vector.broadcast %dot_general3A_155 : vector<1x8xf32> to vector<16x8xf32>
    %le3A_185 = arith.cmpf ole, %le3A, %add3A_184 : vector<16x8xf32>
    %convert_element_type3A_186 = arith.extui %le3A_185 : vector<16x8xi1> to vector<16x8xi32>
    %convert_element_type3A_187 = arith.sitofp %convert_element_type3A_186 : vector<16x8xi32> to vector<16x8xf32>
    %reduce_sum3A_188 = arith.constant dense<0.000000e+00> : vector<16xf32>
    %reduce_sum3A_189 = vector.multi_reduction <add>, %convert_element_type3A_187, %reduce_sum3A_188 [1] : vector<16x8xf32> to vector<16xf32>
    %broadcast_in_dim3A_190 = vector.shape_cast %reduce_sum3A_189 : vector<16xf32> to vector<16x1xf32>
    %sub3A_191 = arith.constant 1.000000e+00 : f32
    %sub3A_192 = vector.broadcast %sub3A_191 : f32 to vector<16x1xf32>
    %sub3A_193 = arith.subf %broadcast_in_dim3A_190, %sub3A_192 : vector<16x1xf32>
    %convert_element_type3A_194 = arith.fptosi %sub3A_193 : vector<16x1xf32> to vector<16x1xi32>
    %swap3A_195 = arith.constant 0 : index
    %swap3A_196 = arith.constant 0 : index
    %swap3A_197 = vector.load %arg9[%swap3A_195, %swap3A_196] : memref<16x1xi32, #tpu.memory_space<vmem>>, vector<16x1xi32>
    tpu.vector_store %arg9[%swap3A_195, %swap3A_196], %convert_element_type3A_194 {strides = array<i32>} : memref<16x1xi32, #tpu.memory_space<vmem>>, vector<16x1xi32>,
    %reduce_sum3A_198 = arith.constant dense<0.000000e+00> : vector<1xf32>
    %reduce_sum3A_199 = vector.multi_reduction <add>, %floor3A, %reduce_sum3A_198 [1] : vector<1x8xf32> to vector<1xf32>
    %broadcast_in_dim3A_200 = vector.shape_cast %reduce_sum3A_199 : vector<1xf32> to vector<1x1xf32>
    %convert_element_type3A_201 = arith.fptosi %broadcast_in_dim3A_200 : vector<1x1xf32> to vector<1x1xi32>
    %swap3A_202 = arith.constant 0 : index
    %swap3A_203 = arith.constant 0 : index
    %swap3A_204 = vector.load %arg10[%swap3A_202, %swap3A_203] : memref<1x1xi32, #tpu.memory_space<vmem>>, vector<1x1xi32>
    tpu.vector_store %arg10[%swap3A_202, %swap3A_203], %convert_element_type3A_201 {strides = array<i32>} : memref<1x1xi32, #tpu.memory_space<vmem>>, vector<1x1xi32>,
    return
  }
}

module attributes {stable_mosaic.version = 14 : i64} {
  func.func @_ffn_body(%arg0: i32, %arg1: memref<16xi32, #tpu.memory_space<smem>>, %arg2: memref<1xi32, #tpu.memory_space<smem>>, %arg3: memref<512x2048xf32, #tpu.memory_space<vmem>>, %arg4: memref<1x2048x1024xf32, #tpu.memory_space<vmem>>, %arg5: memref<1x1x1024xf32, #tpu.memory_space<vmem>>, %arg6: memref<1x1024x512xf32, #tpu.memory_space<vmem>>, %arg7: memref<1x1x512xf32, #tpu.memory_space<vmem>>, %arg8: memref<512x512xf32, #tpu.memory_space<vmem>>) attributes {dimension_semantics = [#tpu.dimension_semantics<arbitrary>], iteration_bounds = array<i64: 16>, scalar_prefetch = 2 : i64, scratch_operands = 0 : i64, tpu.core_type = #tpu.core_type<tc>, window_params = [{transform_indices = @transform_0, window_bounds = array<i64: 512, 2048>}, {transform_indices = @transform_1, window_bounds = array<i64: 1, 2048, 1024>}, {transform_indices = @transform_2, window_bounds = array<i64: 1, 1, 1024>}, {transform_indices = @transform_3, window_bounds = array<i64: 1, 1024, 512>}, {transform_indices = @transform_4, window_bounds = array<i64: 1, 1, 512>}, {transform_indices = @transform_5, window_bounds = array<i64: 512, 512>}]} {
    %get3A = arith.constant 0 : index
    %get3A_0 = memref.load %arg2[%get3A] : memref<1xi32, #tpu.memory_space<smem>>
    %lt3A = arith.cmpi slt, %arg0, %get3A_0 : i32
    %convert_element_type3A = arith.extui %lt3A : i1 to i32
    %cond3A = arith.constant 0 : i32
    %cond3A_1 = arith.cmpi ne, %convert_element_type3A, %cond3A : i32
    scf.if %cond3A_1 {
      %get3A_2 = arith.constant 0 : index
      %get3A_3 = arith.constant 0 : index
      %get3A_4 = vector.load %arg3[%get3A_2, %get3A_3] : memref<512x2048xf32, #tpu.memory_space<vmem>>, vector<512x2048xf32>
      %get3A_5 = arith.constant 0 : index
      %get3A_6 = arith.constant 0 : index
      %get3A_7 = arith.constant 0 : index
      %get3A_8 = vector.load %arg4[%get3A_5, %get3A_6, %get3A_7] : memref<1x2048x1024xf32, #tpu.memory_space<vmem>>, vector<1x2048x1024xf32>
      %get3A_9 = vector.shape_cast %get3A_8 : vector<1x2048x1024xf32> to vector<2048x1024xf32>
      %dot_general3A = arith.constant dense<0.000000e+00> : vector<512x1024xf32>
      %dot_general3A_10 = tpu.matmul %get3A_4, %get3A_9, %dot_general3A {dimension_numbers = #tpu.dot_dimension_numbers<[1], [0], [0], [1], [0, 0, 1, 1], [], []>, transpose_lhs_hint = false} : vector<512x2048xf32>, vector<2048x1024xf32>, vector<512x1024xf32> -> vector<512x1024xf32>
      %get3A_11 = arith.constant 0 : index
      %get3A_12 = arith.constant 0 : index
      %get3A_13 = arith.constant 0 : index
      %get3A_14 = vector.load %arg5[%get3A_11, %get3A_12, %get3A_13] : memref<1x1x1024xf32, #tpu.memory_space<vmem>>, vector<1x1x1024xf32>
      %get3A_15 = vector.shape_cast %get3A_14 : vector<1x1x1024xf32> to vector<1x1024xf32>
      %add3A = vector.broadcast %get3A_15 : vector<1x1024xf32> to vector<512x1024xf32>
      %add3A_16 = arith.addf %dot_general3A_10, %add3A : vector<512x1024xf32>
      %mul3A = arith.constant 5.000000e-01 : f32
      %mul3A_17 = vector.broadcast %mul3A : f32 to vector<512x1024xf32>
      %mul3A_18 = arith.mulf %mul3A_17, %add3A_16 : vector<512x1024xf32>
      %mul3A_19 = arith.constant 0.707106769 : f32
      %mul3A_20 = vector.broadcast %mul3A_19 : f32 to vector<512x1024xf32>
      %mul3A_21 = arith.mulf %add3A_16, %mul3A_20 : vector<512x1024xf32>
      %erf3A = math.erf %mul3A_21 : vector<512x1024xf32>
      %add3A_22 = arith.constant 1.000000e+00 : f32
      %add3A_23 = vector.broadcast %add3A_22 : f32 to vector<512x1024xf32>
      %add3A_24 = arith.addf %add3A_23, %erf3A : vector<512x1024xf32>
      %mul3A_25 = arith.mulf %mul3A_18, %add3A_24 : vector<512x1024xf32>
      %get3A_26 = arith.constant 0 : index
      %get3A_27 = arith.constant 0 : index
      %get3A_28 = arith.constant 0 : index
      %get3A_29 = vector.load %arg6[%get3A_26, %get3A_27, %get3A_28] : memref<1x1024x512xf32, #tpu.memory_space<vmem>>, vector<1x1024x512xf32>
      %get3A_30 = vector.shape_cast %get3A_29 : vector<1x1024x512xf32> to vector<1024x512xf32>
      %dot_general3A_31 = arith.constant dense<0.000000e+00> : vector<512x512xf32>
      %dot_general3A_32 = tpu.matmul %mul3A_25, %get3A_30, %dot_general3A_31 {dimension_numbers = #tpu.dot_dimension_numbers<[1], [0], [0], [1], [0, 0, 1, 1], [], []>, transpose_lhs_hint = false} : vector<512x1024xf32>, vector<1024x512xf32>, vector<512x512xf32> -> vector<512x512xf32>
      %get3A_33 = arith.constant 0 : index
      %get3A_34 = arith.constant 0 : index
      %get3A_35 = arith.constant 0 : index
      %get3A_36 = vector.load %arg7[%get3A_33, %get3A_34, %get3A_35] : memref<1x1x512xf32, #tpu.memory_space<vmem>>, vector<1x1x512xf32>
      %get3A_37 = vector.shape_cast %get3A_36 : vector<1x1x512xf32> to vector<1x512xf32>
      %add3A_38 = vector.broadcast %get3A_37 : vector<1x512xf32> to vector<512x512xf32>
      %add3A_39 = arith.addf %dot_general3A_32, %add3A_38 : vector<512x512xf32>
      %swap3A = arith.constant 0 : index
      %swap3A_40 = arith.constant 0 : index
      %swap3A_41 = vector.load %arg8[%swap3A, %swap3A_40] : memref<512x512xf32, #tpu.memory_space<vmem>>, vector<512x512xf32>
      tpu.vector_store %arg8[%swap3A, %swap3A_40], %add3A_39 {strides = array<i32>} : memref<512x512xf32, #tpu.memory_space<vmem>>, vector<512x512xf32>,
    } else {
    }
    return
  }
  func.func @transform_0(%arg0: i32, %arg1: memref<16xi32, #tpu.memory_space<smem>>, %arg2: memref<1xi32, #tpu.memory_space<smem>>) -> (i32, i32) {
    %get3A = arith.constant 0 : index
    %get3A_0 = memref.load %arg2[%get3A] : memref<1xi32, #tpu.memory_space<smem>>
    %sub3A = arith.constant 1 : i32
    %sub3A_1 = arith.subi %get3A_0, %sub3A : i32
    %min3A = arith.minsi %arg0, %sub3A_1 : i32
    %c0_i32 = arith.constant 0 : i32
    %c0_i32_2 = arith.constant 0 : i32
    return %min3A, %c0_i32 : i32, i32
  }
  func.func @transform_1(%arg0: i32, %arg1: memref<16xi32, #tpu.memory_space<smem>>, %arg2: memref<1xi32, #tpu.memory_space<smem>>) -> (i32, i32, i32) {
    %get3A = arith.index_cast %arg0 : i32 to index
    %get3A_0 = memref.load %arg1[%get3A] : memref<16xi32, #tpu.memory_space<smem>>
    %c0_i32 = arith.constant 0 : i32
    %c0_i32_1 = arith.constant 0 : i32
    %c0_i32_2 = arith.constant 0 : i32
    return %get3A_0, %c0_i32, %c0_i32_1 : i32, i32, i32
  }
  func.func @transform_2(%arg0: i32, %arg1: memref<16xi32, #tpu.memory_space<smem>>, %arg2: memref<1xi32, #tpu.memory_space<smem>>) -> (i32, i32, i32) {
    %get3A = arith.index_cast %arg0 : i32 to index
    %get3A_0 = memref.load %arg1[%get3A] : memref<16xi32, #tpu.memory_space<smem>>
    %c0_i32 = arith.constant 0 : i32
    %c0_i32_1 = arith.constant 0 : i32
    %c0_i32_2 = arith.constant 0 : i32
    return %get3A_0, %c0_i32, %c0_i32_1 : i32, i32, i32
  }
  func.func @transform_3(%arg0: i32, %arg1: memref<16xi32, #tpu.memory_space<smem>>, %arg2: memref<1xi32, #tpu.memory_space<smem>>) -> (i32, i32, i32) {
    %get3A = arith.index_cast %arg0 : i32 to index
    %get3A_0 = memref.load %arg1[%get3A] : memref<16xi32, #tpu.memory_space<smem>>
    %c0_i32 = arith.constant 0 : i32
    %c0_i32_1 = arith.constant 0 : i32
    %c0_i32_2 = arith.constant 0 : i32
    return %get3A_0, %c0_i32, %c0_i32_1 : i32, i32, i32
  }
  func.func @transform_4(%arg0: i32, %arg1: memref<16xi32, #tpu.memory_space<smem>>, %arg2: memref<1xi32, #tpu.memory_space<smem>>) -> (i32, i32, i32) {
    %get3A = arith.index_cast %arg0 : i32 to index
    %get3A_0 = memref.load %arg1[%get3A] : memref<16xi32, #tpu.memory_space<smem>>
    %c0_i32 = arith.constant 0 : i32
    %c0_i32_1 = arith.constant 0 : i32
    %c0_i32_2 = arith.constant 0 : i32
    return %get3A_0, %c0_i32, %c0_i32_1 : i32, i32, i32
  }
  func.func @transform_5(%arg0: i32, %arg1: memref<16xi32, #tpu.memory_space<smem>>, %arg2: memref<1xi32, #tpu.memory_space<smem>>) -> (i32, i32) {
    %c0_i32 = arith.constant 0 : i32
    %c0_i32_0 = arith.constant 0 : i32
    return %arg0, %c0_i32 : i32, i32
  }
}

</mosaic_0001>

<sc_bundles>
// kernel: gather_offload_async_start.1
scs
__scs_entry_jumppad:
0x0: {  	(pc) =	sbr.rel $0x88, $3  }
0x1: {  	(tag) =	ssettag $0x0;
	lr =	simm.s32 $0x1  }
0x2: {  	[smem:$0x3F99] =	sst lr;
	_ =	strace $0xD0000000  }
0x3: {  	_ = 	snop  }
0x4: {  	_ = 	snop  }
0x5: {  	_ = 	snop  }
0x6: {  	_ = 	snop  }
0x7: {  	_ = 	snop  }
__scs_overlays_trampoline_lowered:
0x8: {  	[smem:$0x3FA8] =	sst s0  }
0x9: {  	[smem:$0x3FA9] =	sst s1  }
0xa: {  	[smem:$0x3FAA] =	sst s2  }
0xb: {  	[smem:$0x3FAB] =	sst s3  }
0xc: {  	[smem:$0x3FAC] =	sst s4  }
0xd: {  	[smem:$0x3FAD] =	sst s5  }
0xe: {  	[smem:$0x3FAE] =	sst s6  }
0xf: {  	[smem:$0x3FAF] =	sst s7  }
0x10: {  	[smem:$0x3FB0] =	sst s8  }
0x11: {  	[smem:$0x3FB1] =	sst s9;
	s0 =	simm.s32 @!p0 $0x0  }
0x12: {  	s1 =	sld [smem:$0x3F97];
	s0 =	simm.s32 @p0 $0x1  }
0x13: {  	[smem:$0x3FB2] =	sst s0;
	s0 =	simm.s32 @!p1 $0x0  }
0x14: {  	s2 =	sld [smem:$0x3F96];
	s0 =	simm.s32 @p1 $0x1  }
0x15: {  	[smem:$0x3FB3] =	sst s0;
	s0 =	simm.s32 @!p2 $0x0  }
0x16: {  	s3 =	sld [smem:$0x3FDB];
	s0 =	simm.s32 @p2 $0x1  }
0x17: {  	s4 =	simm.s32 $0x1BF5;
	[smem:$0x3FB5] =	sst s0  }
0x18: {  	s0 =	sld [smem:$0x3F98];
	_ =	swait.ge [sflag:s4], $0x0  }
0x19: {  	s7 =	sld [smem:$0x3F99]  }
0x1a: {  	s8 =	sadd.s32 $0xFFFFE003, lr  }
0x1b: {  	s9 =	sadd.s32 $0xFFFFFEF7, lr;
	s5 =	simm.s32 $0xFFFFFFFF;
	p2 =	slt.u32 s8, $0xFFFFF086  }
0x1c: {  	p1 =	slt.u32 s9, $0xF7A;
	s5 =	simm.s32 @!p2 $0x0  }
0x1d: {  	s5 =	simm.s32 @p1 $0x1;
	p0 =	seq.s32 s7, s2  }
0x1e: {  	s7 =	smul.u32 @!p0 $0xF7A, s2;
	p2 =	seq.s32 @!p0 s5, $0x0  }
0x1f: {  	s9 =	smul.u32 $0xF7A, s1;
	s8 =	simm.s32 @!p0 $0x1BF5;
	p2 =	por !p2, p0  }
0x20: {  	[sflag:s8] =	ssyncset.s32 @!p0 $0xFFFFF086;
	s6 =	sadd.s32 @!p0 s3, s7;
	s7 =	simm.s32 @!p0 $0x108  }
0x21: {  	s3 =	sadd.s32 s3, s9;
	s6 =	sadd.s32 @!p0 $0x88, s6;
	s7 =	simm.s32 @p2 $0x1082  }
0x22: {  	[simem:s7], [sflag:s8] =	dma.local @!p0 [hbm:s6], $0xF7A  }
0x23: {  	s9 =	sor.u32 $0xD0000000, s2;
	s6 =	simm.s32 $0x108;
	_ =	swait.ge @!p0 [sflag:s8], $0x0  }
0x24: {  	s3 =	sadd.s32 $0x88, s3;
	s6 =	simm.s32 @!p1 $0x1082;
	[sflag:s4] =	ssyncset.s32 $0xFFFFF086  }
0x25: {  	[simem:s6], [sflag:s4] =	dma.local [hbm:s3], $0xF7A  }
0x26: {  	[smem:$0x3F99] =	sst s1;
	(tag) =	ssettag s2;
	_ =	strace s9  }
0x27: {  	s1 =	sld [smem:$0x3FA9]  }
0x28: {  	s2 =	sld [smem:$0x3FAA]  }
0x29: {  	s4 =	sld [smem:$0x3FAC]  }
0x2a: {  	p0 =	seq.s32 s5, $0x0;
	s5 =	sld [smem:$0x3FAD]  }
0x2b: {  	s6 =	sld [smem:$0x3FAE]  }
0x2c: {  	s7 =	sld [smem:$0x3FAF]  }
0x2d: {  	s3 =	simm.s32 $0x108;
	s8 =	sld [smem:$0x3FB0]  }
0x2e: {  	s3 =	simm.s32 @!p0 $0x1082;
	s9 =	sld [smem:$0x3FB1]  }
0x2f: {  	lr =	sadd.s32 s0, s3;
	s0 =	sld [smem:$0x3FA8]  }
0x30: {  	s3 =	sld [smem:$0x3FAB]  }
0x31: {  	[smem:$0x3FB4] =	sst s10  }
0x32: {  	s10 =	sld [smem:$0x3FB2];
	_ =	sdelay $0x3  }
0x33: {  	p0 =	seq.s32 s10, $0x1;
	s10 =	sld [smem:$0x3FB4];
	_ =	sdelay $0x3  }
0x34: {  	[smem:$0x3FB4] =	sst s10  }
0x35: {  	s10 =	sld [smem:$0x3FB3];
	_ =	sdelay $0x3  }
0x36: {  	p1 =	seq.s32 s10, $0x1;
	s10 =	sld [smem:$0x3FB4];
	_ =	sdelay $0x3  }
0x37: {  	[smem:$0x3FB4] =	sst s10  }
0x38: {  	s10 =	sld [smem:$0x3FB5]  }
0x39: {  	_ = 	snop;
	(pc) =	sbr.ind lr, $3  }
0x3a: {  	_ = 	snop  }
0x3b: {  	_ = 	snop  }
0x3c: {  	p2 =	seq.s32 s10, $0x1;
	s10 =	sld [smem:$0x3FB4]  }
0x3d: {  	_ =	shalt  }
0x3e: {  	_ =	shalt  }
0x3f: {  	_ =	shalt  }
0x40: {  	_ =	shalt  }
0x41: {  	_ =	shalt  }
0x42: {  	_ =	shalt  }
0x43: {  	_ =	shalt  }
0x44: {  	_ =	shalt  }
0x45: {  	_ =	shalt  }
0x46: {  	_ =	shalt  }
0x47: {  	_ =	shalt  }
0x48: {  	_ =	shalt  }
0x49: {  	_ =	shalt  }
0x4a: {  	_ =	shalt  }
0x4b: {  	_ =	shalt  }
0x4c: {  	_ =	shalt  }
0x4d: {  	_ =	shalt  }
0x4e: {  	_ =	shalt  }
0x4f: {  	_ =	shalt  }
0x50: {  	_ =	shalt  }
0x51: {  	_ =	shalt  }
0x52: {  	_ =	shalt  }
0x53: {  	_ =	shalt  }
0x54: {  	_ =	shalt  }
0x55: {  	_ =	shalt  }
0x56: {  	_ =	shalt  }
0x57: {  	_ =	shalt  }
0x58: {  	_ =	shalt  }
0x59: {  	_ =	shalt  }
0x5a: {  	_ =	shalt  }
0x5b: {  	_ =	shalt  }
0x5c: {  	_ =	shalt  }
0x5d: {  	_ =	shalt  }
0x5e: {  	_ =	shalt  }
0x5f: {  	_ =	shalt  }
0x60: {  	_ =	shalt  }
0x61: {  	_ =	shalt  }
0x62: {  	_ =	shalt  }
0x63: {  	_ =	shalt  }
0x64: {  	_ =	shalt  }
0x65: {  	_ =	shalt  }
0x66: {  	_ =	shalt  }
0x67: {  	_ =	shalt  }
0x68: {  	_ =	shalt  }
0x69: {  	_ =	shalt  }
0x6a: {  	_ =	shalt  }
0x6b: {  	_ =	shalt  }
0x6c: {  	_ =	shalt  }
0x6d: {  	_ =	shalt  }
0x6e: {  	_ =	shalt  }
0x6f: {  	_ =	shalt  }
0x70: {  	_ =	shalt  }
0x71: {  	_ =	shalt  }
0x72: {  	_ =	shalt  }
0x73: {  	_ =	shalt  }
0x74: {  	_ =	shalt  }
0x75: {  	_ =	shalt  }
0x76: {  	_ =	shalt  }
0x77: {  	_ =	shalt  }
0x78: {  	_ =	shalt  }
0x79: {  	_ =	shalt  }
0x7a: {  	_ =	shalt  }
0x7b: {  	_ =	shalt  }
0x7c: {  	_ =	shalt  }
0x7d: {  	_ =	shalt  }
0x7e: {  	_ =	shalt  }
0x7f: {  	_ =	shalt  }
0x80: {  	_ =	shalt  }
0x81: {  	_ =	shalt  }
0x82: {  	_ =	shalt  }
0x83: {  	_ =	shalt  }
0x84: {  	_ =	shalt  }
0x85: {  	_ =	shalt  }
0x86: {  	_ =	shalt  }
0x87: {  	_ =	shalt  }
.Lfunc_end0:
.L_simem_size_0:
called_computation.1_lowered:
.L_overlay_start_0:
0x88: {  	s2 =	sld [smem:$0x3FD9]  }
0x89: {  	s3 =	sld [smem:$0x3FFE];
	_ =	sdelay $0x1  }
0x8a: {  	s1 =	srdreg.scid  }
0x8b: {  	s0 =	sand.u32 $0x1, s1  }
0x8c: {  	s16 =	sshll.u32 s0, $0xA;
	s2 =	sadd.s32 s3, s2  }
0x8d: {  	s2 =	sadd.s32 s2, s16  }
0x8e: {  	[smem:$0x3FC0] =	sst s2  }
0x8f: {  	_ = 	snop  }
0x90: {  	(tm) =	ssettm $0x1  }
0x91: {  	s17 =	sld [smem:$0x3FFB];
	_ =	sdelay $0x3  }
0x92: {  	_ =	strace s17  }
0x93: {  	s2 =	sld [smem:$0x3FFC];
	_ =	sdelay $0x3  }
0x94: {  	_ =	strace s2  }
0x95: {  	s2 =	sld [smem:$0x3FFD];
	_ =	sdelay $0x3  }
0x96: {  	_ =	strace s2  }
0x97: {  	_ =	strace $0x8FFFFFFF  }
0x98: {  	s18 =	sld [smem:$0x3FDB];
	_ =	sdelay $0x1  }
0x99: {  	s19 =	simm.s32 $_scs_section_size  }
0x9a: {  	s4 =	simm.s32 $_size__tile_overlayer_lowered;
	s5 =	simm.s32 $_tile_overlayer_lowered  }
0x9b: {  	s22 =	simm.s32 $0x1BFF;
	s21 =	sshll.u32 s5, $0x1;
	s2 =	sadd.s32 s19, s18  }
0x9c: {  	s6 =	simm.s32 $0x0;
	s20 =	sshll.u32 s4, $0x1;
	s4 =	sadd.s32 s21, s2  }
0x9d: {  	[timem:s6], [sflag:s22] =	dma.local [hbm:s4], s20  }
0x9e: {  	_ =	swait.ge [sflag:s22], s20  }
0x9f: {  	s3 =	ssub.s32 $0x0, s20;
	[sflag:s22] =	ssyncset.done $0x0  }
0xa0: {  	[sflag:s22] =	ssyncadd.s32 s3;
	_ =	sdelay $0x1  }
0xa1: {  	s23 =	simm.s32 $0x1B8B  }
0xa2: {  	_ =	swait.ge [sflag:s23], $0x1  }
0xa3: {  	[sflag:s23] =	ssyncset.done $0x0  }
0xa4: {  	s25 =	simm.s32 $0x1B8E;
	s24 =	sld [smem:$0x3FFE];
	[sflag:s23] =	ssyncadd.s32 $0xFFFFFFFF  }
0xa5: {  	s26 =	simm.s32 $execute0_lowered;
	[smem:$0x3FD2] =	sst s25  }
0xa6: {  	s4 =	sshll.u32 s26, $0x1;
	_ =	strace $0x80000049;
	[dreg:$0x1] =	wrdreg $0xFFFFFFFF  }
0xa7: {  	s28 =	simm.s32 $_size_execute0_lowered;
	s2 =	sadd.s32 s2, s4;
	[dreg:$0x0] =	wrdreg $0x0  }
0xa8: {  	s4 =	sshll.u32 s28, $0x1;
	[dreg:$0x2] =	wrdreg s2  }
0xa9: {  	[dreg:$0x3] =	wrdreg s4  }
0xaa: {  	[dreg:$0x4] =	wrdreg $0xC0  }
0xab: {  	_ =	task [dreg:s6], $0x5FFFF  }
0xac: {  	[dreg:$0x1] =	wrdreg $0xFFFFFFFF  }
0xad: {  	[dreg:$0x0] =	wrdreg $0x60  }
0xae: {  	[dreg:$0x2] =	wrdreg s24  }
0xaf: {  	[dreg:$0x3] =	wrdreg $0xA  }
0xb0: {  	_ =	task.clear_ibuf [dreg:s6], $0x4FFFF;
	_ =	strace $0x90000049  }
0xb1: {  	s29 =	simm.s32 $0xA;
	_ =	strace $0x8000004B  }
0xb2: {  	_ =	swait.ge [sflag:s29], $0x1  }
0xb3: {  	[sflag:s29] =	ssyncadd.s32 $0xFFFFFFFF  }
0xb4: {  	_ =	strace $0x9000004B  }
0xb5: {  	_ =	sfence  }
0xb6: {  	s30 =	sld [smem:$0x0];
	_ =	sdelay $0x2  }
0xb7: {  	s31 =	sshll.u32 s1, $0xD;
	s1 =	sshrl.u32 s1, $0x2  }
0xb8: {  	s3 =	sand.u32 $0x4000, s31;
	s1 =	sadd.s32 s1, s30  }
0xb9: {  	s0 =	sor.u32 s3, s0;
	s1 =	sshll.u32 s1, $0x11  }
0xba: {  	s0 =	sor.u32 s1, s0  }
0xbb: {  	s0 =	sadd.s32 $0x8F2B, s0  }
0xbc: {  	[sflag:s0] =	ssyncadd.remote.s32 $0x1  }
0xbd: {  	_ =	sfence.sel $0xFFFF  }
0xbe: {  	[dreg:$0x0] =	wrdreg $0xFFFFFFFF;
	(pc) =	sbr.abs _section_cstart, $3  }
0xbf: {  	[dreg:$0x1] =	wrdreg $0xFFFFFFFF  }
0xc0: {  	_ =	task.clear_ibuf [dreg:s6], $0x2FFFF;
	_ =	strace $0x9FFFFFFF  }
0xc1: {  	(tm) =	ssettm $0x7FFFFFFF  }
tec
execute0_lowered:
.L_overlay_start_1:
0x0: {  	(tag) =	ssettag $0x1  }
0x1: {  	s7 =	rddreg [dreg:$0x0]  }
0x2: {  	s0 =	rddreg [dreg:$0x1];
	_ =	strace $0x8000004A  }
0x3: {  	s1 =	srdreg.scid;
	s4 =	simm.s32 $0x1;
	s9 =	simm.s32 $0x3  }
0x4: {  	s12 =	simm.s32 $0x0;
	s10 =	simm.s32 $0x0;
	s5 =	sshll.u32 s1, $0x4  }
.Ltmp0:
0x5: {  	s1 =	stileid.u32;
	s5 =	sand.u32 $0x10, s5;
	(pc) =	sbr.rel .LBB2_1-.Ltmp0, $4  }
0x6: {  	s2 =	sadd.s32 $0x10200, s7;
	s3 =	sadd.s32 $0x210200, s7;
	s6 =	sor.u32 s1, s5  }
0x7: {  	[sflag:s4] =	ssyncpa.u1 $0x0;
	s5 =	simm.s32 $0x2;
	s6 =	sshll.u32 s6, $0x6  }
0x8: {  	s7 =	sadd.s32 $0x90200, s7;
	[sflag:s5] =	ssyncpa.u1 $0x0;
	s8 =	sadd.s32 $0x40, s6  }
0x9: {  	vm0 =	vmmov $0xff;
	vm1 =	vcmask $0x3F20;
	[sflag:s9] =	ssyncpa.u1 $0x0;
	s9 =	simm.s32 $0x40;
	s11 =	smov.u32 s6  }
.LBB2_11:
0xa: {  	p0 =	seq.s32 s10, $0x2  }
.Ltmp1:
0xb: {  	_ = 	snop;
	(pc) =	sbr.rel @p0 .LBB2_13-.Ltmp1, $1  }
0xc: {  	_ =	sdelay $0x3  }
.LBB2_12:
0xd: {  	s12 =	sadd.s32 $0x40, s11  }
0xe: {  	s13 =	smov.u32 s6;
	p0 =	slt.s32 s12, s8  }
0xf: {  	s13 =	smov.u32 @p0 s12  }
0x10: {  	s10 =	sadd.s32 $0x1, s10;
	s12 =	smov.u32 s11;
	s11 =	smov.u32 s13  }
.LBB2_1:
0x11: {  	p0 =	sne.s32 s10, $0x0  }
.Ltmp2:
0x12: {  	_ = 	snop;
	(pc) =	sbr.rel @!p0 .LBB2_2-.Ltmp2, $1  }
0x13: {  	_ =	sdelay $0x3  }
0x14: {  	s13 =	sand.u32 $0x1, s10  }
0x15: {  	p0 =	seq.s32 s13, $0x0  }
.Ltmp3:
0x16: {  	_ = 	snop;
	(pc) =	sbr.rel @p0 .LBB2_11-.Ltmp3, $1  }
0x17: {  	_ =	sdelay $0x3  }
0x18: {  	_ =	swait.ge [sflag:s5], $0x40  }
0x19: {  	[sflag:s5] =	ssyncset.done $0x0  }
0x1a: {  	s13 =	simm.s32 $0x0;
	s14 =	simm.s32 $0x80;
	[sflag:s5] =	ssyncadd.s32 $0xFFFFFFC0  }
.LBB2_5:
0x1b: {  	s15 =	sshll.u32 s13, $0x4  }
0x1c: {  	s15 =	sand.u32 $0x3FFFFFF0, s15  }
0x1d: {  	v0 =	vld.msk [tilespmem:s15+$0x40 ss:$0x1], $0xffff;
	_ =	sdelay $0x4  }
0x1e: {  	vm2 =	vgt.s32 v0, $0x0  }
0x1f: {  	v0 =	vnsel vm2, $0x0, v0  }
0x20: {  	v0 =	vmin.u32 v0, $0x1FFF  }
0x21: {  	v1 =	vshll.u32 v0, $0x6;
	v0 =	vshll.u32 v0, $0x4  }
0x22: {  	v1 =	vand.u32 $0x7FE00, v1;
	v0 =	vand.u32 $0x70, v0  }
0x23: {  	v0 =	vor.u32 v0, v1;
	_ =	sdelay $0x2  }
0x24: {  	s16 =	sadd.s32 $0xFFFFF000, s14  }
0x25: {  	s31 =	sadd.s32 $0x9000, s16;
	s16 =	sadd.s32 $0xA000, s16;
	s15 =	simm.s32 $0xFFFFD000  }
0x26: {  	v1 =	vadd.s32 $0x80, v0;
	[tilespmem:s31], [sflag:$0x1] =	stream.indirect_vreg.gather [hbm:s2], $0x80, v0, vm0, $0x38;
	[tilespmem:$0x10080] =	vst v63  }
.LBB2_6:
0x27: {  	[tilespmem:s16], [sflag:$0x1] =	stream.indirect_vreg.gather [hbm:s2], $0x80, v0, vm1, $0x38;
	[tilespmem:$0x10080] =	vst v63  }
0x28: {  	v0 =	vmov v1;
	p0 =	sne.s32 s15, $0xFFFFF000  }
.Ltmp4:
0x29: {  	s16 =	sshra.s32 s15, $0x2;
	(pc) =	sbr.rel @p0 .LBB2_6-.Ltmp4, $4  }
0x2a: {  	s15 =	sadd.s32 $0x1000, s15;
	s16 =	sadd.s32 s16, s14  }
0x2b: {  	s17 =	sadd.s32 $0x9000, s16  }
0x2c: {  	[tilespmem:s17], [sflag:$0x1] =	stream.indirect_vreg.gather [hbm:s2], $0x80, v1, vm0, $0x38;
	[tilespmem:$0x10080] =	vst v63  }
0x2d: {  	s16 =	sadd.s32 $0xA000, s16;
	v1 =	vadd.s32 $0x80, v1  }
0x2e: {  	s13 =	sadd.s32 $0x1, s13  }
0x2f: {  	p0 =	sne.s32 s13, $0x4  }
.Ltmp5:
0x30: {  	_ = 	snop;
	(pc) =	sbr.rel @p0 .LBB2_5-.Ltmp5, $3  }
0x31: {  	_ =	sdelay $0x1  }
0x32: {  	[tilespmem:s16], [sflag:$0x1] =	stream.indirect_vreg.gather [hbm:s2], $0x80, v0, vm1, $0x38;
	[tilespmem:$0x10080] =	vst v63  }
0x33: {  	s14 =	sadd.s32 $0x2000, s14  }
0x34: {  	s13 =	sshll.u32 s12, $0x6  }
0x35: {  	_ =	swait.ge [sflag:s4], $0x8000;
	s31 =	sshll.u32 s12, $0x4;
	s13 =	sand.u32 $0xFFFFFE00, s13  }
0x36: {  	s14 =	simm.s32 $0x200;
	s12 =	sand.u32 $0x70, s31;
	s13 =	sadd.s32 s13, s7  }
0x37: {  	s15 =	simm.s32 $0x9080;
	[sflag:s4] =	ssyncset.done $0x0;
	s12 =	sadd.s32 s12, s13  }
0x38: {  	[sflag:s4] =	ssyncadd.s32 $0xFFFF8000;
	s13 =	simm.s32 $0x8080;
	s16 =	sadd.s32 $0x0, s12  }
.LBB2_9:
0x39: {  	[hbm:s16] =	stream.linear.scatter [tilespmem:s13], [sflag:$0x3], $0x1000, $0x38;
	[tilespmem:$0x10080] =	vst v63  }
0x3a: {  	s16 =	smov.u32 s14;
	s13 =	smov.u32 s15;
	p0 =	sne.s32 s14, $0xE00  }
.Ltmp6:
0x3b: {  	s14 =	sadd.s32 $0x200, s14;
	(pc) =	sbr.rel @p0 .LBB2_9-.Ltmp6, $2  }
0x3c: {  	_ =	sdelay $0x2  }
0x3d: {  	s15 =	sadd.s32 $0x1000, s15;
	s16 =	sadd.s32 s16, s12  }
.Ltmp7:
0x3e: {  	(pc) =	sbr.rel .LBB2_11-.Ltmp7, $2  }
0x3f: {  	_ =	sdelay $0x2  }
0x40: {  	[hbm:s16] =	stream.linear.scatter [tilespmem:s13], [sflag:$0x3], $0x1000, $0x38;
	[tilespmem:$0x10080] =	vst v63  }
.LBB2_2:
.Ltmp8:
0x41: {  	(pc) =	sbr.rel .LBB2_12-.Ltmp8, $4  }
0x42: {  	_ = 	snop  }
0x43: {  	s12 =	sshrl.u32 s11, $0x3  }
0x44: {  	s13 =	sand.u32 $0x7, s11;
	s12 =	sadd.s32 s3, s12  }
0x45: {  	[tilespmem:s9], [sflag:$0x2] =	stream.linear.gather [hbm4b:s12+s13], $0x40, $0x38;
	[tilespmem:$0x10080] =	vst v63  }
.LBB2_13:
0x46: {  	s2 =	simm.s32 $0x3  }
0x47: {  	_ =	swait.ge [sflag:s2], $0x8000  }
0x48: {  	[sflag:s2] =	ssyncset.done $0x0  }
0x49: {  	[sflag:s2] =	ssyncadd.s32 $0xFFFF8000  }
0x4a: {  	_ =	sfence.sel $0x180000  }
0x4b: {  	s3 =	simm.s32 $0x2;
	[bflag:$0x0] =	sbarrier.arrive $0xFFFF  }
0x4c: {  	[sflag:s3] =	ssyncpa.u1 $0x1  }
0x4d: {  	s31 =	simm.s32 $0x1;
	[sflag:s2] =	ssyncpa.u1 $0x1  }
0x4e: {  	[sflag:s31] =	ssyncpa.u1 $0x1  }
0x4f: {  	p0 =	sne.s32 s1, $0x0;
	_ =	strace $0x9000004A  }
0x50: {  	s0 =	sadd.s32 @!p0 $0x100000, s0;
	[bflag:$0x2] =	sbarrier.arrive $0xFFFF  }
0x51: {  	[sflag:s0] =	ssyncadd.tile.s32 @!p0 $0x1;
	_ =	shalt  }
.Lfunc_end2:
_tile_overlayer_lowered:
.L_overlay_start_2:
0x52: {  	(tag) =	ssettag $0x2  }
0x53: {  	s0 =	rddreg [dreg:$0x0];
	s2 =	stileid.u32  }
0x54: {  	s1 =	rddreg [dreg:$0x1];
	p0 =	sne.s32 s2, $0x0  }
0x55: {  	s3 =	rddreg [dreg:$0x2];
	[bflag:$0x3] =	sbarrier.arrive $0xFFFF;
	s2 =	simm.s32 @!p0 $0x1C01  }
0x56: {  	[timem:s3], [sflag:s2] =	dma.local @!p0 [hbm:s0], s1  }
0x57: {  	s0 =	simm.s32 @!p0 $0x1  }
0x58: {  	_ =	swait.ge @!p0 [sflag:s0], s1  }
0x59: {  	s1 =	ssub.s32 @!p0 $0x0, s1;
	[sflag:s0] =	ssyncset.done @!p0 $0x0  }
0x5a: {  	[sflag:s0] =	ssyncadd.s32 @!p0 s1  }
0x5b: {  	[bflag:$0x3] =	sbarrier.arrive $0xFFFF  }
0x5c: {  	_ =	shalt  }

// kernel: gather_offload_async_start
scs
__scs_entry_jumppad:
0x0: {  	(pc) =	sbr.rel $0x88, $3  }
0x1: {  	(tag) =	ssettag $0x0;
	lr =	simm.s32 $0x1  }
0x2: {  	[smem:$0x3F99] =	sst lr;
	_ =	strace $0xD0000000  }
0x3: {  	_ = 	snop  }
0x4: {  	_ = 	snop  }
0x5: {  	_ = 	snop  }
0x6: {  	_ = 	snop  }
0x7: {  	_ = 	snop  }
__scs_overlays_trampoline_lowered:
0x8: {  	[smem:$0x3FA8] =	sst s0  }
0x9: {  	[smem:$0x3FA9] =	sst s1  }
0xa: {  	[smem:$0x3FAA] =	sst s2  }
0xb: {  	[smem:$0x3FAB] =	sst s3  }
0xc: {  	[smem:$0x3FAC] =	sst s4  }
0xd: {  	[smem:$0x3FAD] =	sst s5  }
0xe: {  	[smem:$0x3FAE] =	sst s6  }
0xf: {  	[smem:$0x3FAF] =	sst s7  }
0x10: {  	[smem:$0x3FB0] =	sst s8  }
0x11: {  	[smem:$0x3FB1] =	sst s9;
	s0 =	simm.s32 @!p0 $0x0  }
0x12: {  	s1 =	sld [smem:$0x3F97];
	s0 =	simm.s32 @p0 $0x1  }
0x13: {  	[smem:$0x3FB2] =	sst s0;
	s0 =	simm.s32 @!p1 $0x0  }
0x14: {  	s2 =	sld [smem:$0x3F96];
	s0 =	simm.s32 @p1 $0x1  }
0x15: {  	[smem:$0x3FB3] =	sst s0;
	s0 =	simm.s32 @!p2 $0x0  }
0x16: {  	s3 =	sld [smem:$0x3FDB];
	s0 =	simm.s32 @p2 $0x1  }
0x17: {  	s4 =	simm.s32 $0x1BF5;
	[smem:$0x3FB5] =	sst s0  }
0x18: {  	s0 =	sld [smem:$0x3F98];
	_ =	swait.ge [sflag:s4], $0x0  }
0x19: {  	s7 =	sld [smem:$0x3F99]  }
0x1a: {  	s8 =	sadd.s32 $0xFFFFE003, lr  }
0x1b: {  	s9 =	sadd.s32 $0xFFFFFEF7, lr;
	s5 =	simm.s32 $0xFFFFFFFF;
	p2 =	slt.u32 s8, $0xFFFFF086  }
0x1c: {  	p1 =	slt.u32 s9, $0xF7A;
	s5 =	simm.s32 @!p2 $0x0  }
0x1d: {  	s5 =	simm.s32 @p1 $0x1;
	p0 =	seq.s32 s7, s2  }
0x1e: {  	s7 =	smul.u32 @!p0 $0xF7A, s2;
	p2 =	seq.s32 @!p0 s5, $0x0  }
0x1f: {  	s9 =	smul.u32 $0xF7A, s1;
	s8 =	simm.s32 @!p0 $0x1BF5;
	p2 =	por !p2, p0  }
0x20: {  	[sflag:s8] =	ssyncset.s32 @!p0 $0xFFFFF086;
	s6 =	sadd.s32 @!p0 s3, s7;
	s7 =	simm.s32 @!p0 $0x108  }
0x21: {  	s3 =	sadd.s32 s3, s9;
	s6 =	sadd.s32 @!p0 $0x88, s6;
	s7 =	simm.s32 @p2 $0x1082  }
0x22: {  	[simem:s7], [sflag:s8] =	dma.local @!p0 [hbm:s6], $0xF7A  }
0x23: {  	s9 =	sor.u32 $0xD0000000, s2;
	s6 =	simm.s32 $0x108;
	_ =	swait.ge @!p0 [sflag:s8], $0x0  }
0x24: {  	s3 =	sadd.s32 $0x88, s3;
	s6 =	simm.s32 @!p1 $0x1082;
	[sflag:s4] =	ssyncset.s32 $0xFFFFF086  }
0x25: {  	[simem:s6], [sflag:s4] =	dma.local [hbm:s3], $0xF7A  }
0x26: {  	[smem:$0x3F99] =	sst s1;
	(tag) =	ssettag s2;
	_ =	strace s9  }
0x27: {  	s1 =	sld [smem:$0x3FA9]  }
0x28: {  	s2 =	sld [smem:$0x3FAA]  }
0x29: {  	s4 =	sld [smem:$0x3FAC]  }
0x2a: {  	p0 =	seq.s32 s5, $0x0;
	s5 =	sld [smem:$0x3FAD]  }
0x2b: {  	s6 =	sld [smem:$0x3FAE]  }
0x2c: {  	s7 =	sld [smem:$0x3FAF]  }
0x2d: {  	s3 =	simm.s32 $0x108;
	s8 =	sld [smem:$0x3FB0]  }
0x2e: {  	s3 =	simm.s32 @!p0 $0x1082;
	s9 =	sld [smem:$0x3FB1]  }
0x2f: {  	lr =	sadd.s32 s0, s3;
	s0 =	sld [smem:$0x3FA8]  }
0x30: {  	s3 =	sld [smem:$0x3FAB]  }
0x31: {  	[smem:$0x3FB4] =	sst s10  }
0x32: {  	s10 =	sld [smem:$0x3FB2];
	_ =	sdelay $0x3  }
0x33: {  	p0 =	seq.s32 s10, $0x1;
	s10 =	sld [smem:$0x3FB4];
	_ =	sdelay $0x3  }
0x34: {  	[smem:$0x3FB4] =	sst s10  }
0x35: {  	s10 =	sld [smem:$0x3FB3];
	_ =	sdelay $0x3  }
0x36: {  	p1 =	seq.s32 s10, $0x1;
	s10 =	sld [smem:$0x3FB4];
	_ =	sdelay $0x3  }
0x37: {  	[smem:$0x3FB4] =	sst s10  }
0x38: {  	s10 =	sld [smem:$0x3FB5]  }
0x39: {  	_ = 	snop;
	(pc) =	sbr.ind lr, $3  }
0x3a: {  	_ = 	snop  }
0x3b: {  	_ = 	snop  }
0x3c: {  	p2 =	seq.s32 s10, $0x1;
	s10 =	sld [smem:$0x3FB4]  }
0x3d: {  	_ =	shalt  }
0x3e: {  	_ =	shalt  }
0x3f: {  	_ =	shalt  }
0x40: {  	_ =	shalt  }
0x41: {  	_ =	shalt  }
0x42: {  	_ =	shalt  }
0x43: {  	_ =	shalt  }
0x44: {  	_ =	shalt  }
0x45: {  	_ =	shalt  }
0x46: {  	_ =	shalt  }
0x47: {  	_ =	shalt  }
0x48: {  	_ =	shalt  }
0x49: {  	_ =	shalt  }
0x4a: {  	_ =	shalt  }
0x4b: {  	_ =	shalt  }
0x4c: {  	_ =	shalt  }
0x4d: {  	_ =	shalt  }
0x4e: {  	_ =	shalt  }
0x4f: {  	_ =	shalt  }
0x50: {  	_ =	shalt  }
0x51: {  	_ =	shalt  }
0x52: {  	_ =	shalt  }
0x53: {  	_ =	shalt  }
0x54: {  	_ =	shalt  }
0x55: {  	_ =	shalt  }
0x56: {  	_ =	shalt  }
0x57: {  	_ =	shalt  }
0x58: {  	_ =	shalt  }
0x59: {  	_ =	shalt  }
0x5a: {  	_ =	shalt  }
0x5b: {  	_ =	shalt  }
0x5c: {  	_ =	shalt  }
0x5d: {  	_ =	shalt  }
0x5e: {  	_ =	shalt  }
0x5f: {  	_ =	shalt  }
0x60: {  	_ =	shalt  }
0x61: {  	_ =	shalt  }
0x62: {  	_ =	shalt  }
0x63: {  	_ =	shalt  }
0x64: {  	_ =	shalt  }
0x65: {  	_ =	shalt  }
0x66: {  	_ =	shalt  }
0x67: {  	_ =	shalt  }
0x68: {  	_ =	shalt  }
0x69: {  	_ =	shalt  }
0x6a: {  	_ =	shalt  }
0x6b: {  	_ =	shalt  }
0x6c: {  	_ =	shalt  }
0x6d: {  	_ =	shalt  }
0x6e: {  	_ =	shalt  }
0x6f: {  	_ =	shalt  }
0x70: {  	_ =	shalt  }
0x71: {  	_ =	shalt  }
0x72: {  	_ =	shalt  }
0x73: {  	_ =	shalt  }
0x74: {  	_ =	shalt  }
0x75: {  	_ =	shalt  }
0x76: {  	_ =	shalt  }
0x77: {  	_ =	shalt  }
0x78: {  	_ =	shalt  }
0x79: {  	_ =	shalt  }
0x7a: {  	_ =	shalt  }
0x7b: {  	_ =	shalt  }
0x7c: {  	_ =	shalt  }
0x7d: {  	_ =	shalt  }
0x7e: {  	_ =	shalt  }
0x7f: {  	_ =	shalt  }
0x80: {  	_ =	shalt  }
0x81: {  	_ =	shalt  }
0x82: {  	_ =	shalt  }
0x83: {  	_ =	shalt  }
0x84: {  	_ =	shalt  }
0x85: {  	_ =	shalt  }
0x86: {  	_ =	shalt  }
0x87: {  	_ =	shalt  }
.Lfunc_end0:
.L_simem_size_0:
called_computation_lowered:
.L_overlay_start_0:
0x88: {  	s2 =	sld [smem:$0x3FD9]  }
0x89: {  	s3 =	sld [smem:$0x3FFE];
	_ =	sdelay $0x1  }
0x8a: {  	s1 =	srdreg.scid  }
0x8b: {  	s0 =	sand.u32 $0x1, s1  }
0x8c: {  	s15 =	sshll.u32 s0, $0xA;
	s2 =	sadd.s32 s3, s2  }
0x8d: {  	s2 =	sadd.s32 s2, s15  }
0x8e: {  	[smem:$0x3FC0] =	sst s2  }
0x8f: {  	_ = 	snop  }
0x90: {  	s2 =	sld [smem:$0x3FD0];
	_ =	sdelay $0x2  }
0x91: {  	s16 =	simm.s32 $0xB;
	s4 =	simm.s32 $0x10  }
0x92: {  	[smem:s4], [sflag:s16] =	dma.local [hbm:s2], $0x1  }
0x93: {  	_ =	swait.eq [sflag:s16], $0x1  }
0x94: {  	[sflag:s16] =	ssyncset.done $0x0  }
0x95: {  	[sflag:s16] =	ssyncadd.s32 $0xFFFFFFFF  }
0x96: {  	s17 =	sld [smem:$0x10];
	(tm) =	ssettm $0x1  }
0x97: {  	s18 =	sld [smem:$0x3FFB];
	_ =	sdelay $0x3  }
0x98: {  	_ =	strace s18  }
0x99: {  	s2 =	sld [smem:$0x3FFC];
	_ =	sdelay $0x3  }
0x9a: {  	_ =	strace s2  }
0x9b: {  	s2 =	sld [smem:$0x3FFD];
	_ =	sdelay $0x3  }
0x9c: {  	_ =	strace s2  }
0x9d: {  	_ =	strace $0x8FFFFFFF  }
0x9e: {  	s19 =	sld [smem:$0x3FDB];
	_ =	sdelay $0x1  }
0x9f: {  	s20 =	simm.s32 $_scs_section_size  }
0xa0: {  	s5 =	simm.s32 $_size__tile_overlayer_lowered;
	s6 =	simm.s32 $_tile_overlayer_lowered  }
0xa1: {  	s7 =	simm.s32 $0x1BFF;
	s21 =	sshll.u32 s6, $0x1;
	s4 =	sadd.s32 s20, s19  }
0xa2: {  	s22 =	simm.s32 $0x0;
	s5 =	sshll.u32 s5, $0x1;
	s6 =	sadd.s32 s21, s4  }
0xa3: {  	[timem:s22], [sflag:s7] =	dma.local [hbm:s6], s5  }
0xa4: {  	_ =	swait.ge [sflag:s7], s5  }
0xa5: {  	s5 =	ssub.s32 $0x0, s5;
	[sflag:s7] =	ssyncset.done $0x0  }
0xa6: {  	[sflag:s7] =	ssyncadd.s32 s5;
	_ =	sdelay $0x1  }
0xa7: {  	s23 =	simm.s32 $0x1B8B  }
0xa8: {  	_ =	swait.ge [sflag:s23], $0x1  }
0xa9: {  	[sflag:s23] =	ssyncset.done $0x0  }
0xaa: {  	[sflag:s23] =	ssyncadd.s32 $0xFFFFFFFF  }
0xab: {  	s5 =	sld [smem:$0x0]  }
0xac: {  	s6 =	sand.u32 $0xFFFFFFFE, s1  }
0xad: {  	p0 =	sne.s32 s1, s6  }
0xae: {  	s6 =	sshll.u32 @p0 s6, $0xE  }
0xaf: {  	s6 =	sadd.s32 @p0 $0x11B8D, s6;
	s7 =	sshll.u32 @p0 s5, $0x11  }
0xb0: {  	s6 =	sor.u32 @p0 s7, s6  }
0xb1: {  	[sflag:s6] =	ssyncadd.remote.s32 @p0 $0x1;
	_ =	sdelay $0x1  }
0xb2: {  	s6 =	simm.s32 @p0 $0x1B8D  }
0xb3: {  	_ =	swait.eq @p0 [sflag:s6], $0x1  }
0xb4: {  	[sflag:s6] =	ssyncadd.s32 @p0 $0xFFFFFFFF  }
0xb5: {  	s7 =	sshll.u32 @!p0 s1, $0xE  }
0xb6: {  	s7 =	sor.u32 @!p0 $0x4000, s7;
	s6 =	simm.s32 @!p0 $0x1B8D  }
0xb7: {  	s5 =	sshll.u32 @!p0 s5, $0x11;
	s7 =	sadd.s32 @!p0 $0x11B8D, s7;
	_ =	swait.eq @!p0 [sflag:s6], $0x1  }
0xb8: {  	s5 =	sor.u32 @!p0 s5, s7;
	[sflag:s6] =	ssyncadd.s32 @!p0 $0xFFFFFFFF  }
0xb9: {  	s25 =	simm.s32 $0x1B8E;
	s24 =	sld [smem:$0x3FFE];
	[sflag:s5] =	ssyncadd.remote.s32 @!p0 $0x1  }
0xba: {  	s26 =	simm.s32 $execute0_lowered;
	[smem:$0x3FD2] =	sst s25  }
0xbb: {  	s6 =	sshll.u32 s26, $0x1;
	_ =	strace $0x8000004C;
	[dreg:$0x1] =	wrdreg $0xFFFFFFFF  }
0xbc: {  	s28 =	simm.s32 $_size_execute0_lowered;
	s4 =	sadd.s32 s4, s6;
	[dreg:$0x0] =	wrdreg $0x0  }
0xbd: {  	s6 =	sshll.u32 s28, $0x1;
	[dreg:$0x2] =	wrdreg s4  }
0xbe: {  	[dreg:$0x3] =	wrdreg s6  }
0xbf: {  	[dreg:$0x4] =	wrdreg $0xC0  }
0xc0: {  	_ =	task [dreg:s22], $0x5FFFF  }
0xc1: {  	[dreg:$0x1] =	wrdreg $0xFFFFFFFF  }
0xc2: {  	[dreg:$0x0] =	wrdreg $0x60  }
0xc3: {  	[dreg:$0x2] =	wrdreg s24  }
0xc4: {  	[dreg:$0x3] =	wrdreg s17  }
0xc5: {  	[dreg:$0x4] =	wrdreg $0x9  }
0xc6: {  	_ =	task.clear_ibuf [dreg:s22], $0x5FFFF;
	_ =	strace $0x9000004C  }
0xc7: {  	s29 =	simm.s32 $0x9;
	_ =	strace $0x8000004E  }
0xc8: {  	_ =	swait.ge [sflag:s29], $0x1  }
0xc9: {  	[sflag:s29] =	ssyncadd.s32 $0xFFFFFFFF  }
0xca: {  	_ =	strace $0x9000004E  }
0xcb: {  	_ =	sfence  }
0xcc: {  	s30 =	sld [smem:$0x0];
	_ =	sdelay $0x2  }
0xcd: {  	s31 =	sshll.u32 s1, $0xD;
	s1 =	sshrl.u32 s1, $0x2  }
0xce: {  	s4 =	sand.u32 $0x4000, s31;
	s1 =	sadd.s32 s1, s30  }
0xcf: {  	s0 =	sor.u32 s4, s0;
	s1 =	sshll.u32 s1, $0x11  }
0xd0: {  	s0 =	sor.u32 s1, s0  }
0xd1: {  	s0 =	sadd.s32 $0x8F2B, s0  }
0xd2: {  	[sflag:s0] =	ssyncadd.remote.s32 $0x1  }
0xd3: {  	_ =	sfence.sel $0xFFFF  }
0xd4: {  	[dreg:$0x0] =	wrdreg $0xFFFFFFFF;
	(pc) =	sbr.abs _section_cstart, $3  }
0xd5: {  	[dreg:$0x1] =	wrdreg $0xFFFFFFFF  }
0xd6: {  	_ =	task.clear_ibuf [dreg:s22], $0x2FFFF;
	_ =	strace $0x9FFFFFFF  }
0xd7: {  	(tm) =	ssettm $0x7FFFFFFF  }
tec
execute0_lowered:
.L_overlay_start_1:
0x0: {  	(tag) =	ssettag $0x1  }
0x1: {  	s7 =	rddreg [dreg:$0x0]  }
0x2: {  	s2 =	rddreg [dreg:$0x1]  }
0x3: {  	s0 =	rddreg [dreg:$0x2]  }
0x4: {  	s1 =	srdreg.scid;
	_ =	strace $0x8000004D;
	s4 =	simm.s32 $0x1  }
0x5: {  	s9 =	simm.s32 $0x3;
	s12 =	simm.s32 $0x0;
	s5 =	sshll.u32 s1, $0x4  }
.Ltmp0:
0x6: {  	s1 =	stileid.u32;
	s5 =	sand.u32 $0x10, s5;
	(pc) =	sbr.rel .LBB2_1-.Ltmp0, $4  }
0x7: {  	s10 =	simm.s32 $0x0;
	s3 =	sadd.s32 $0x10200, s7;
	s6 =	sor.u32 s1, s5  }
0x8: {  	[sflag:s4] =	ssyncpa.u1 $0x0;
	s5 =	simm.s32 $0x2;
	s6 =	sshll.u32 s6, $0x6  }
0x9: {  	s7 =	sadd.s32 $0xB0200, s7;
	[sflag:s5] =	ssyncpa.u1 $0x0;
	s8 =	sadd.s32 $0x40, s6  }
0xa: {  	vm0 =	vmmov $0xff;
	vm1 =	vcmask $0x3F20;
	[sflag:s9] =	ssyncpa.u1 $0x0;
	s9 =	simm.s32 $0x40;
	s11 =	smov.u32 s6  }
.LBB2_11:
0xb: {  	p0 =	seq.s32 s10, $0x2  }
.Ltmp1:
0xc: {  	_ = 	snop;
	(pc) =	sbr.rel @p0 .LBB2_13-.Ltmp1, $1  }
0xd: {  	_ =	sdelay $0x3  }
.LBB2_12:
0xe: {  	s12 =	sadd.s32 $0x40, s11  }
0xf: {  	s13 =	smov.u32 s6;
	p0 =	slt.s32 s12, s8  }
0x10: {  	s13 =	smov.u32 @p0 s12  }
0x11: {  	s10 =	sadd.s32 $0x1, s10;
	s12 =	smov.u32 s11;
	s11 =	smov.u32 s13  }
.LBB2_1:
0x12: {  	p0 =	sne.s32 s10, $0x0  }
.Ltmp2:
0x13: {  	_ = 	snop;
	(pc) =	sbr.rel @!p0 .LBB2_2-.Ltmp2, $1  }
0x14: {  	_ =	sdelay $0x3  }
0x15: {  	s13 =	sand.u32 $0x1, s10  }
0x16: {  	p0 =	seq.s32 s13, $0x0  }
.Ltmp3:
0x17: {  	_ = 	snop;
	(pc) =	sbr.rel @p0 .LBB2_11-.Ltmp3, $1  }
0x18: {  	_ =	sdelay $0x3  }
0x19: {  	_ =	swait.ge [sflag:s5], $0x40  }
0x1a: {  	[sflag:s5] =	ssyncset.done $0x0  }
0x1b: {  	s13 =	simm.s32 $0x0;
	s14 =	simm.s32 $0x80;
	[sflag:s5] =	ssyncadd.s32 $0xFFFFFFC0  }
.LBB2_5:
0x1c: {  	s15 =	sshll.u32 s13, $0x4  }
0x1d: {  	s15 =	sand.u32 $0x3FFFFFF0, s15  }
0x1e: {  	v0 =	vld.msk [tilespmem:s15+$0x40 ss:$0x1], $0xffff;
	_ =	sdelay $0x4  }
0x1f: {  	vm2 =	vgt.s32 v0, $0x0  }
0x20: {  	v0 =	vnsel vm2, $0x0, v0  }
0x21: {  	v0 =	vmin.u32 v0, $0x1FFF  }
0x22: {  	v1 =	vshll.u32 v0, $0x6;
	v0 =	vshll.u32 v0, $0x4  }
0x23: {  	v1 =	vand.u32 $0x7FE00, v1;
	v0 =	vand.u32 $0x70, v0  }
0x24: {  	v0 =	vor.u32 v0, v1;
	_ =	sdelay $0x2  }
0x25: {  	s16 =	sadd.s32 $0xFFFFF000, s14  }
0x26: {  	s31 =	sadd.s32 $0x9000, s16;
	s16 =	sadd.s32 $0xA000, s16;
	s15 =	simm.s32 $0xFFFFD000  }
0x27: {  	v1 =	vadd.s32 $0x80, v0;
	[tilespmem:s31], [sflag:$0x1] =	stream.indirect_vreg.gather [hbm:s3], $0x80, v0, vm0, $0x38;
	[tilespmem:$0x10080] =	vst v63  }
.LBB2_6:
0x28: {  	[tilespmem:s16], [sflag:$0x1] =	stream.indirect_vreg.gather [hbm:s3], $0x80, v0, vm1, $0x38;
	[tilespmem:$0x10080] =	vst v63  }
0x29: {  	v0 =	vmov v1;
	p0 =	sne.s32 s15, $0xFFFFF000  }
.Ltmp4:
0x2a: {  	s16 =	sshra.s32 s15, $0x2;
	(pc) =	sbr.rel @p0 .LBB2_6-.Ltmp4, $4  }
0x2b: {  	s15 =	sadd.s32 $0x1000, s15;
	s16 =	sadd.s32 s16, s14  }
0x2c: {  	s17 =	sadd.s32 $0x9000, s16  }
0x2d: {  	[tilespmem:s17], [sflag:$0x1] =	stream.indirect_vreg.gather [hbm:s3], $0x80, v1, vm0, $0x38;
	[tilespmem:$0x10080] =	vst v63  }
0x2e: {  	s16 =	sadd.s32 $0xA000, s16;
	v1 =	vadd.s32 $0x80, v1  }
0x2f: {  	s13 =	sadd.s32 $0x1, s13  }
0x30: {  	p0 =	sne.s32 s13, $0x4  }
.Ltmp5:
0x31: {  	_ = 	snop;
	(pc) =	sbr.rel @p0 .LBB2_5-.Ltmp5, $3  }
0x32: {  	_ =	sdelay $0x1  }
0x33: {  	[tilespmem:s16], [sflag:$0x1] =	stream.indirect_vreg.gather [hbm:s3], $0x80, v0, vm1, $0x38;
	[tilespmem:$0x10080] =	vst v63  }
0x34: {  	s14 =	sadd.s32 $0x2000, s14  }
0x35: {  	s13 =	sshll.u32 s12, $0x6  }
0x36: {  	_ =	swait.ge [sflag:s4], $0x8000;
	s31 =	sshll.u32 s12, $0x4;
	s13 =	sand.u32 $0xFFFFFE00, s13  }
0x37: {  	s14 =	simm.s32 $0x200;
	s12 =	sand.u32 $0x70, s31;
	s13 =	sadd.s32 s13, s2  }
0x38: {  	s15 =	simm.s32 $0x9080;
	[sflag:s4] =	ssyncset.done $0x0;
	s12 =	sadd.s32 s12, s13  }
0x39: {  	[sflag:s4] =	ssyncadd.s32 $0xFFFF8000;
	s13 =	simm.s32 $0x8080;
	s16 =	sadd.s32 $0x0, s12  }
.LBB2_9:
0x3a: {  	[hbm:s16] =	stream.linear.scatter [tilespmem:s13], [sflag:$0x3], $0x1000, $0x38;
	[tilespmem:$0x10080] =	vst v63  }
0x3b: {  	s16 =	smov.u32 s14;
	s13 =	smov.u32 s15;
	p0 =	sne.s32 s14, $0xE00  }
.Ltmp6:
0x3c: {  	s14 =	sadd.s32 $0x200, s14;
	(pc) =	sbr.rel @p0 .LBB2_9-.Ltmp6, $2  }
0x3d: {  	_ =	sdelay $0x2  }
0x3e: {  	s15 =	sadd.s32 $0x1000, s15;
	s16 =	sadd.s32 s16, s12  }
.Ltmp7:
0x3f: {  	(pc) =	sbr.rel .LBB2_11-.Ltmp7, $2  }
0x40: {  	_ =	sdelay $0x2  }
0x41: {  	[hbm:s16] =	stream.linear.scatter [tilespmem:s13], [sflag:$0x3], $0x1000, $0x38;
	[tilespmem:$0x10080] =	vst v63  }
.LBB2_2:
.Ltmp8:
0x42: {  	(pc) =	sbr.rel .LBB2_12-.Ltmp8, $4  }
0x43: {  	_ = 	snop  }
0x44: {  	s12 =	sshrl.u32 s11, $0x3  }
0x45: {  	s13 =	sand.u32 $0x7, s11;
	s12 =	sadd.s32 s7, s12  }
0x46: {  	[tilespmem:s9], [sflag:$0x2] =	stream.linear.gather [hbm4b:s12+s13], $0x40, $0x38;
	[tilespmem:$0x10080] =	vst v63  }
.LBB2_13:
0x47: {  	s2 =	simm.s32 $0x3  }
0x48: {  	_ =	swait.ge [sflag:s2], $0x8000  }
0x49: {  	[sflag:s2] =	ssyncset.done $0x0  }
0x4a: {  	[sflag:s2] =	ssyncadd.s32 $0xFFFF8000  }
0x4b: {  	_ =	sfence.sel $0x180000  }
0x4c: {  	s3 =	simm.s32 $0x2;
	[bflag:$0x0] =	sbarrier.arrive $0xFFFF  }
0x4d: {  	[sflag:s3] =	ssyncpa.u1 $0x1  }
0x4e: {  	s31 =	simm.s32 $0x1;
	[sflag:s2] =	ssyncpa.u1 $0x1  }
0x4f: {  	[sflag:s31] =	ssyncpa.u1 $0x1  }
0x50: {  	p0 =	sne.s32 s1, $0x0;
	_ =	strace $0x9000004D  }
0x51: {  	s0 =	sadd.s32 @!p0 $0x100000, s0;
	[bflag:$0x2] =	sbarrier.arrive $0xFFFF  }
0x52: {  	[sflag:s0] =	ssyncadd.tile.s32 @!p0 $0x1;
	_ =	shalt  }
.Lfunc_end2:
_tile_overlayer_lowered:
.L_overlay_start_2:
0x53: {  	(tag) =	ssettag $0x2  }
0x54: {  	s0 =	rddreg [dreg:$0x0];
	s2 =	stileid.u32  }
0x55: {  	s1 =	rddreg [dreg:$0x1];
	p0 =	sne.s32 s2, $0x0  }
0x56: {  	s3 =	rddreg [dreg:$0x2];
	[bflag:$0x3] =	sbarrier.arrive $0xFFFF;
	s2 =	simm.s32 @!p0 $0x1C01  }
0x57: {  	[timem:s3], [sflag:s2] =	dma.local @!p0 [hbm:s0], s1  }
0x58: {  	s0 =	simm.s32 @!p0 $0x1  }
0x59: {  	_ =	swait.ge @!p0 [sflag:s0], s1  }
0x5a: {  	s1 =	ssub.s32 @!p0 $0x0, s1;
	[sflag:s0] =	ssyncset.done @!p0 $0x0  }
0x5b: {  	[sflag:s0] =	ssyncadd.s32 @!p0 s1  }
0x5c: {  	[bflag:$0x3] =	sbarrier.arrive $0xFFFF  }
0x5d: {  	_ =	shalt  }

// kernel: kernel.5.cloned.1.call-start
scs
__scs_entry_jumppad:
0x0: {  	(pc) =	sbr.rel $0x88, $3  }
0x1: {  	(tag) =	ssettag $0x0;
	lr =	simm.s32 $0x1  }
0x2: {  	[smem:$0x3F99] =	sst lr;
	_ =	strace $0xD0000000  }
0x3: {  	_ = 	snop  }
0x4: {  	_ = 	snop  }
0x5: {  	_ = 	snop  }
0x6: {  	_ = 	snop  }
0x7: {  	_ = 	snop  }
__scs_overlays_trampoline_lowered:
0x8: {  	[smem:$0x3FA8] =	sst s0  }
0x9: {  	[smem:$0x3FA9] =	sst s1  }
0xa: {  	[smem:$0x3FAA] =	sst s2  }
0xb: {  	[smem:$0x3FAB] =	sst s3  }
0xc: {  	[smem:$0x3FAC] =	sst s4  }
0xd: {  	[smem:$0x3FAD] =	sst s5  }
0xe: {  	[smem:$0x3FAE] =	sst s6  }
0xf: {  	[smem:$0x3FAF] =	sst s7  }
0x10: {  	[smem:$0x3FB0] =	sst s8  }
0x11: {  	[smem:$0x3FB1] =	sst s9;
	s0 =	simm.s32 @!p0 $0x0  }
0x12: {  	s1 =	sld [smem:$0x3F97];
	s0 =	simm.s32 @p0 $0x1  }
0x13: {  	[smem:$0x3FB2] =	sst s0;
	s0 =	simm.s32 @!p1 $0x0  }
0x14: {  	s2 =	sld [smem:$0x3F96];
	s0 =	simm.s32 @p1 $0x1  }
0x15: {  	[smem:$0x3FB3] =	sst s0;
	s0 =	simm.s32 @!p2 $0x0  }
0x16: {  	s3 =	sld [smem:$0x3FDB];
	s0 =	simm.s32 @p2 $0x1  }
0x17: {  	s4 =	simm.s32 $0x1BF5;
	[smem:$0x3FB5] =	sst s0  }
0x18: {  	s0 =	sld [smem:$0x3F98];
	_ =	swait.ge [sflag:s4], $0x0  }
0x19: {  	s7 =	sld [smem:$0x3F99]  }
0x1a: {  	s8 =	sadd.s32 $0xFFFFE003, lr  }
0x1b: {  	s9 =	sadd.s32 $0xFFFFFEF7, lr;
	s5 =	simm.s32 $0xFFFFFFFF;
	p2 =	slt.u32 s8, $0xFFFFF086  }
0x1c: {  	p1 =	slt.u32 s9, $0xF7A;
	s5 =	simm.s32 @!p2 $0x0  }
0x1d: {  	s5 =	simm.s32 @p1 $0x1;
	p0 =	seq.s32 s7, s2  }
0x1e: {  	s7 =	smul.u32 @!p0 $0xF7A, s2;
	p2 =	seq.s32 @!p0 s5, $0x0  }
0x1f: {  	s9 =	smul.u32 $0xF7A, s1;
	s8 =	simm.s32 @!p0 $0x1BF5;
	p2 =	por !p2, p0  }
0x20: {  	[sflag:s8] =	ssyncset.s32 @!p0 $0xFFFFF086;
	s6 =	sadd.s32 @!p0 s3, s7;
	s7 =	simm.s32 @!p0 $0x108  }
0x21: {  	s3 =	sadd.s32 s3, s9;
	s6 =	sadd.s32 @!p0 $0x88, s6;
	s7 =	simm.s32 @p2 $0x1082  }
0x22: {  	[simem:s7], [sflag:s8] =	dma.local @!p0 [hbm:s6], $0xF7A  }
0x23: {  	s9 =	sor.u32 $0xD0000000, s2;
	s6 =	simm.s32 $0x108;
	_ =	swait.ge @!p0 [sflag:s8], $0x0  }
0x24: {  	s3 =	sadd.s32 $0x88, s3;
	s6 =	simm.s32 @!p1 $0x1082;
	[sflag:s4] =	ssyncset.s32 $0xFFFFF086  }
0x25: {  	[simem:s6], [sflag:s4] =	dma.local [hbm:s3], $0xF7A  }
0x26: {  	[smem:$0x3F99] =	sst s1;
	(tag) =	ssettag s2;
	_ =	strace s9  }
0x27: {  	s1 =	sld [smem:$0x3FA9]  }
0x28: {  	s2 =	sld [smem:$0x3FAA]  }
0x29: {  	s4 =	sld [smem:$0x3FAC]  }
0x2a: {  	p0 =	seq.s32 s5, $0x0;
	s5 =	sld [smem:$0x3FAD]  }
0x2b: {  	s6 =	sld [smem:$0x3FAE]  }
0x2c: {  	s7 =	sld [smem:$0x3FAF]  }
0x2d: {  	s3 =	simm.s32 $0x108;
	s8 =	sld [smem:$0x3FB0]  }
0x2e: {  	s3 =	simm.s32 @!p0 $0x1082;
	s9 =	sld [smem:$0x3FB1]  }
0x2f: {  	lr =	sadd.s32 s0, s3;
	s0 =	sld [smem:$0x3FA8]  }
0x30: {  	s3 =	sld [smem:$0x3FAB]  }
0x31: {  	[smem:$0x3FB4] =	sst s10  }
0x32: {  	s10 =	sld [smem:$0x3FB2];
	_ =	sdelay $0x3  }
0x33: {  	p0 =	seq.s32 s10, $0x1;
	s10 =	sld [smem:$0x3FB4];
	_ =	sdelay $0x3  }
0x34: {  	[smem:$0x3FB4] =	sst s10  }
0x35: {  	s10 =	sld [smem:$0x3FB3];
	_ =	sdelay $0x3  }
0x36: {  	p1 =	seq.s32 s10, $0x1;
	s10 =	sld [smem:$0x3FB4];
	_ =	sdelay $0x3  }
0x37: {  	[smem:$0x3FB4] =	sst s10  }
0x38: {  	s10 =	sld [smem:$0x3FB5]  }
0x39: {  	_ = 	snop;
	(pc) =	sbr.ind lr, $3  }
0x3a: {  	_ = 	snop  }
0x3b: {  	_ = 	snop  }
0x3c: {  	p2 =	seq.s32 s10, $0x1;
	s10 =	sld [smem:$0x3FB4]  }
0x3d: {  	_ =	shalt  }
0x3e: {  	_ =	shalt  }
0x3f: {  	_ =	shalt  }
0x40: {  	_ =	shalt  }
0x41: {  	_ =	shalt  }
0x42: {  	_ =	shalt  }
0x43: {  	_ =	shalt  }
0x44: {  	_ =	shalt  }
0x45: {  	_ =	shalt  }
0x46: {  	_ =	shalt  }
0x47: {  	_ =	shalt  }
0x48: {  	_ =	shalt  }
0x49: {  	_ =	shalt  }
0x4a: {  	_ =	shalt  }
0x4b: {  	_ =	shalt  }
0x4c: {  	_ =	shalt  }
0x4d: {  	_ =	shalt  }
0x4e: {  	_ =	shalt  }
0x4f: {  	_ =	shalt  }
0x50: {  	_ =	shalt  }
0x51: {  	_ =	shalt  }
0x52: {  	_ =	shalt  }
0x53: {  	_ =	shalt  }
0x54: {  	_ =	shalt  }
0x55: {  	_ =	shalt  }
0x56: {  	_ =	shalt  }
0x57: {  	_ =	shalt  }
0x58: {  	_ =	shalt  }
0x59: {  	_ =	shalt  }
0x5a: {  	_ =	shalt  }
0x5b: {  	_ =	shalt  }
0x5c: {  	_ =	shalt  }
0x5d: {  	_ =	shalt  }
0x5e: {  	_ =	shalt  }
0x5f: {  	_ =	shalt  }
0x60: {  	_ =	shalt  }
0x61: {  	_ =	shalt  }
0x62: {  	_ =	shalt  }
0x63: {  	_ =	shalt  }
0x64: {  	_ =	shalt  }
0x65: {  	_ =	shalt  }
0x66: {  	_ =	shalt  }
0x67: {  	_ =	shalt  }
0x68: {  	_ =	shalt  }
0x69: {  	_ =	shalt  }
0x6a: {  	_ =	shalt  }
0x6b: {  	_ =	shalt  }
0x6c: {  	_ =	shalt  }
0x6d: {  	_ =	shalt  }
0x6e: {  	_ =	shalt  }
0x6f: {  	_ =	shalt  }
0x70: {  	_ =	shalt  }
0x71: {  	_ =	shalt  }
0x72: {  	_ =	shalt  }
0x73: {  	_ =	shalt  }
0x74: {  	_ =	shalt  }
0x75: {  	_ =	shalt  }
0x76: {  	_ =	shalt  }
0x77: {  	_ =	shalt  }
0x78: {  	_ =	shalt  }
0x79: {  	_ =	shalt  }
0x7a: {  	_ =	shalt  }
0x7b: {  	_ =	shalt  }
0x7c: {  	_ =	shalt  }
0x7d: {  	_ =	shalt  }
0x7e: {  	_ =	shalt  }
0x7f: {  	_ =	shalt  }
0x80: {  	_ =	shalt  }
0x81: {  	_ =	shalt  }
0x82: {  	_ =	shalt  }
0x83: {  	_ =	shalt  }
0x84: {  	_ =	shalt  }
0x85: {  	_ =	shalt  }
0x86: {  	_ =	shalt  }
0x87: {  	_ =	shalt  }
.Lfunc_end0:
.L_simem_size_0:
called_computation.2_lowered:
.L_overlay_start_0:
0x88: {  	s2 =	sld [smem:$0x3FD9]  }
0x89: {  	s3 =	sld [smem:$0x3FFE];
	_ =	sdelay $0x1  }
0x8a: {  	s1 =	srdreg.scid  }
0x8b: {  	s0 =	sand.u32 $0x1, s1  }
0x8c: {  	s14 =	sshll.u32 s0, $0xA;
	s2 =	sadd.s32 s3, s2  }
0x8d: {  	s2 =	sadd.s32 s2, s14  }
0x8e: {  	[smem:$0x3FC0] =	sst s2  }
0x8f: {  	_ = 	snop  }
0x90: {  	s2 =	sld [smem:$0x3FD0];
	_ =	sdelay $0x2  }
0x91: {  	s4 =	simm.s32 $0xB;
	s5 =	simm.s32 $0x10;
	s15 =	sld [smem:$0x3FC9]  }
0x92: {  	[smem:s5], [sflag:s4] =	dma.local [hbm:s2], $0x1  }
0x93: {  	_ =	swait.eq [sflag:s4], $0x1  }
0x94: {  	[sflag:s4] =	ssyncset.done $0x0  }
0x95: {  	[sflag:s4] =	ssyncadd.s32 $0xFFFFFFFF  }
0x96: {  	s16 =	sld [smem:$0x11];
	(tm) =	ssettm $0x1  }
0x97: {  	s17 =	sld [smem:$0x3FFB];
	_ =	sdelay $0x3  }
0x98: {  	_ =	strace s17  }
0x99: {  	s4 =	sld [smem:$0x3FFC];
	_ =	sdelay $0x3  }
0x9a: {  	_ =	strace s4  }
0x9b: {  	s4 =	sld [smem:$0x3FFD];
	_ =	sdelay $0x3  }
0x9c: {  	_ =	strace s4  }
0x9d: {  	_ =	strace $0x8FFFFFFF  }
0x9e: {  	s18 =	sld [smem:$0x3FDB];
	_ =	sdelay $0x1  }
0x9f: {  	s19 =	simm.s32 $_scs_section_size  }
0xa0: {  	s6 =	simm.s32 $_size__tile_overlayer_lowered;
	s7 =	simm.s32 $_tile_overlayer_lowered  }
0xa1: {  	s22 =	simm.s32 $0x1BFF;
	s21 =	sshll.u32 s7, $0x1;
	s4 =	sadd.s32 s19, s18  }
0xa2: {  	s8 =	simm.s32 $0x0;
	s20 =	sshll.u32 s6, $0x1;
	s6 =	sadd.s32 s21, s4  }
0xa3: {  	[timem:s8], [sflag:s22] =	dma.local [hbm:s6], s20  }
0xa4: {  	_ =	swait.ge [sflag:s22], s20  }
0xa5: {  	s5 =	ssub.s32 $0x0, s20;
	[sflag:s22] =	ssyncset.done $0x0  }
0xa6: {  	[sflag:s22] =	ssyncadd.s32 s5;
	_ =	sdelay $0x1  }
0xa7: {  	s23 =	simm.s32 $0x1B8B  }
0xa8: {  	_ =	swait.ge [sflag:s23], $0x1  }
0xa9: {  	[sflag:s23] =	ssyncset.done $0x0  }
0xaa: {  	s25 =	simm.s32 $0x1B8E;
	s24 =	sld [smem:$0x3FFE];
	[sflag:s23] =	ssyncadd.s32 $0xFFFFFFFF  }
0xab: {  	s26 =	simm.s32 $execute0_lowered;
	[smem:$0x3FD2] =	sst s25  }
0xac: {  	s6 =	sshll.u32 s26, $0x1;
	_ =	strace $0x80000046;
	[dreg:$0x1] =	wrdreg $0xFFFFFFFF  }
0xad: {  	s28 =	simm.s32 $_size_execute0_lowered;
	s4 =	sadd.s32 s4, s6;
	[dreg:$0x0] =	wrdreg $0x0  }
0xae: {  	s6 =	sshll.u32 s28, $0x1;
	[dreg:$0x2] =	wrdreg s4  }
0xaf: {  	[dreg:$0x3] =	wrdreg s6  }
0xb0: {  	[dreg:$0x4] =	wrdreg $0xC0  }
0xb1: {  	_ =	task [dreg:s8], $0x5FFFF  }
0xb2: {  	[dreg:$0x1] =	wrdreg $0xFFFFFFFF  }
0xb3: {  	[dreg:$0x0] =	wrdreg $0x60  }
0xb4: {  	[dreg:$0x2] =	wrdreg s15  }
0xb5: {  	[dreg:$0x3] =	wrdreg s16  }
0xb6: {  	[dreg:$0x4] =	wrdreg s24  }
0xb7: {  	[dreg:$0x5] =	wrdreg $0x9  }
0xb8: {  	_ =	task.clear_ibuf [dreg:s8], $0x6FFFF;
	_ =	strace $0x90000046  }
0xb9: {  	s29 =	simm.s32 $0x9;
	_ =	strace $0x80000048  }
0xba: {  	_ =	swait.ge [sflag:s29], $0x1  }
0xbb: {  	[sflag:s29] =	ssyncadd.s32 $0xFFFFFFFF  }
0xbc: {  	_ =	strace $0x90000048  }
0xbd: {  	_ =	sfence  }
0xbe: {  	s30 =	sld [smem:$0x0];
	_ =	sdelay $0x2  }
0xbf: {  	s31 =	sshll.u32 s1, $0xD;
	s1 =	sshrl.u32 s1, $0x2  }
0xc0: {  	s3 =	sand.u32 $0x4000, s31;
	s1 =	sadd.s32 s1, s30  }
0xc1: {  	s0 =	sor.u32 s3, s0;
	s1 =	sshll.u32 s1, $0x11  }
0xc2: {  	s0 =	sor.u32 s1, s0  }
0xc3: {  	s0 =	sadd.s32 $0x8F2B, s0  }
0xc4: {  	[sflag:s0] =	ssyncadd.remote.s32 $0x1  }
0xc5: {  	_ =	sfence.sel $0xFFFF  }
0xc6: {  	[dreg:$0x0] =	wrdreg $0xFFFFFFFF;
	(pc) =	sbr.abs _section_cstart, $3  }
0xc7: {  	[dreg:$0x1] =	wrdreg $0xFFFFFFFF  }
0xc8: {  	_ =	task.clear_ibuf [dreg:s8], $0x2FFFF;
	_ =	strace $0x9FFFFFFF  }
0xc9: {  	(tm) =	ssettm $0x7FFFFFFF  }
tec
execute0_lowered:
.L_overlay_start_1:
0x0: {  	(tag) =	ssettag $0x1  }
0x1: {  	s0 =	rddreg [dreg:$0x0]  }
0x2: {  	s1 =	rddreg [dreg:$0x1]  }
0x3: {  	s10 =	rddreg [dreg:$0x2]  }
0x4: {  	s3 =	srdreg.scid;
	s5 =	stileid.u32  }
0x5: {  	s2 =	simm.s32 $0x0;
	s25 =	simm.s32 $0x1;
	s4 =	sand.u32 $0x1, s3  }
0x6: {  	s28 =	sshll.u32 s5, $0x1;
	[smem:$0x7FF] =	sst s2;
	s3 =	sadd.s32 $0x10200, s10  }
0x7: {  	s9 =	sadd.s32 $0x10800, s10;
	s7 =	sor.u32 s4, s28;
	_ =	strace $0x80000047  }
0x8: {  	s4 =	ssub.s32 $0x2, s4;
	s29 =	sshll.u32 s7, $0xE;
	s6 =	sshll.u32 s7, $0x6  }
0x9: {  	s8 =	sshrl.u32 s4, $0x1;
	s12 =	sshllo.u32 s7, $0x1;
	s7 =	sadd.s32 $0x10600, s10  }
0xa: {  	s5 =	sadd.s32 s0, s29;
	s30 =	sadd.s32 s1, s6;
	s11 =	ssub.s32 s4, s8  }
0xb: {  	s4 =	sadd.s32 $0x10300, s10;
	s6 =	sadd.s32 $0x10500, s10;
	s8 =	sadd.s32 $0x10700, s10  }
0xc: {  	s13 =	sshll.u32 s12, $0xD;
	s12 =	sshll.u32 s12, $0x5;
	[dreg:$0x4] =	wrdreg s5  }
0xd: {  	v2 =	vlaneseq.u32;
	[dreg:$0x5] =	wrdreg s30;
	s5 =	sadd.s32 $0x10400, s10;
	s0 =	sadd.s32 s0, s13  }
0xe: {  	vm0 =	vmmov $0xffff;
	v1 =	vshrl.u32 v2, $0x3;
	s10 =	sadd.s32 $0x10900, s10;
	s31 =	sadd.s32 s1, s12;
	[dreg:$0x6] =	wrdreg s0  }
0xf: {  	v0 =	vand.u32 $0x7, v2;
	v2 =	vor.u32 $0x8, v2;
	v1 =	vmul.u32 $0x8, v1;
	s11 =	smax.u32 s11, $0x1;
	s12 =	simm.s32 $0x2;
	[dreg:$0x7] =	wrdreg s31  }
.LBB2_1:
0x10: {  	s26 =	rddreg [dreg:$0x4]  }
0x11: {  	[tilespmem:s2], [sflag:$0x2] =	stream.linear.gather [hbm4b:s26+s2], $0x10000, $0x38;
	[tilespmem:$0x10100] =	vst v63  }
0x12: {  	_ =	swait.ge [sflag:s12], $0x10000  }
0x13: {  	[sflag:s12] =	ssyncset.done $0x0  }
0x14: {  	s0 =	simm.s32 $0x10000;
	s20 =	rddreg [dreg:$0x5];
	[sflag:s12] =	ssyncadd.s32 $0xFFFF0000  }
0x15: {  	[tilespmem:s0], [sflag:$0x2] =	stream.linear.gather [hbm4b:s20+s2], $0x100, $0x38;
	[tilespmem:$0x10100] =	vst v63  }
0x16: {  	_ =	swait.ge [sflag:s12], $0x100  }
0x17: {  	[sflag:s12] =	ssyncset.done $0x0  }
0x18: {  	[sflag:s12] =	ssyncadd.s32 $0xFFFFFF00  }
0x19: {  	v3 =	vld [tilespmem:$0x10000];
	_ =	sdelay $0x4  }
0x1a: {  	v4 =	vshll.u32 v3, $0x4  }
0x1b: {  	v3 =	vand.u32 $0x7, v3;
	v4 =	vand.u32 $0xFFFFFF80, v4  }
0x1c: {  	v3 =	vor.u32 v3, v4  }
0x1d: {  	v4 =	vperm.xlane v3, v0;
	_ =	sdelay $0x1  }
0x1e: {  	v4 =	vadd.s32 v1, v4;
	_ =	sdelay $0x4  }
0x1f: {  	[hbm4b:s3+s2] =	stream.indirect_vreg.scatter [tilespmem:s2], [sflag:$0x1], $0x80, v4, vm0, $0xb8;
	[tilespmem:$0x10100] =	vst v63  }
0x20: {  	s21 =	simm.s32 $0x800  }
0x21: {  	[hbm4b:s4+s2] =	stream.indirect_vreg.scatter [tilespmem:s21], [sflag:$0x1], $0x80, v4, vm0, $0xb8;
	[tilespmem:$0x10100] =	vst v63  }
0x22: {  	s22 =	simm.s32 $0x1000  }
0x23: {  	[hbm4b:s5+s2] =	stream.indirect_vreg.scatter [tilespmem:s22], [sflag:$0x1], $0x80, v4, vm0, $0xb8;
	[tilespmem:$0x10100] =	vst v63  }
0x24: {  	s23 =	simm.s32 $0x1800  }
0x25: {  	[hbm4b:s6+s2] =	stream.indirect_vreg.scatter [tilespmem:s23], [sflag:$0x1], $0x80, v4, vm0, $0xb8;
	[tilespmem:$0x10100] =	vst v63  }
0x26: {  	s24 =	simm.s32 $0x2000  }
0x27: {  	[hbm4b:s7+s2] =	stream.indirect_vreg.scatter [tilespmem:s24], [sflag:$0x1], $0x80, v4, vm0, $0xb8;
	[tilespmem:$0x10100] =	vst v63  }
0x28: {  	s26 =	simm.s32 $0x2800;
	v3 =	vperm.xlane v3, v2  }
0x29: {  	[hbm4b:s8+s2] =	stream.indirect_vreg.scatter [tilespmem:s26], [sflag:$0x1], $0x80, v4, vm0, $0xb8;
	[tilespmem:$0x10100] =	vst v63  }
0x2a: {  	s28 =	simm.s32 $0x3000;
	v3 =	vadd.s32 v1, v3  }
0x2b: {  	[hbm4b:s9+s2] =	stream.indirect_vreg.scatter [tilespmem:s28], [sflag:$0x1], $0x80, v4, vm0, $0xb8;
	[tilespmem:$0x10100] =	vst v63  }
0x2c: {  	s29 =	simm.s32 $0x3800  }
0x2d: {  	[hbm4b:s10+s2] =	stream.indirect_vreg.scatter [tilespmem:s29], [sflag:$0x1], $0x80, v4, vm0, $0xb8;
	[tilespmem:$0x10100] =	vst v63  }
0x2e: {  	s30 =	simm.s32 $0x4000  }
0x2f: {  	[hbm4b:s3+s2] =	stream.indirect_vreg.scatter [tilespmem:s30], [sflag:$0x1], $0x80, v3, vm0, $0xb8;
	[tilespmem:$0x10100] =	vst v63  }
0x30: {  	s31 =	simm.s32 $0x4800  }
0x31: {  	[hbm4b:s4+s2] =	stream.indirect_vreg.scatter [tilespmem:s31], [sflag:$0x1], $0x80, v3, vm0, $0xb8;
	[tilespmem:$0x10100] =	vst v63  }
0x32: {  	s1 =	simm.s32 $0x5000  }
0x33: {  	[hbm4b:s5+s2] =	stream.indirect_vreg.scatter [tilespmem:s1], [sflag:$0x1], $0x80, v3, vm0, $0xb8;
	[tilespmem:$0x10100] =	vst v63  }
0x34: {  	s13 =	simm.s32 $0x5800  }
0x35: {  	[hbm4b:s6+s2] =	stream.indirect_vreg.scatter [tilespmem:s13], [sflag:$0x1], $0x80, v3, vm0, $0xb8;
	[tilespmem:$0x10100] =	vst v63  }
0x36: {  	s16 =	simm.s32 $0x6000  }
0x37: {  	[hbm4b:s7+s2] =	stream.indirect_vreg.scatter [tilespmem:s16], [sflag:$0x1], $0x80, v3, vm0, $0xb8;
	[tilespmem:$0x10100] =	vst v63  }
0x38: {  	s17 =	simm.s32 $0x6800  }
0x39: {  	[hbm4b:s8+s2] =	stream.indirect_vreg.scatter [tilespmem:s17], [sflag:$0x1], $0x80, v3, vm0, $0xb8;
	[tilespmem:$0x10100] =	vst v63  }
0x3a: {  	s18 =	simm.s32 $0x7000  }
0x3b: {  	[hbm4b:s9+s2] =	stream.indirect_vreg.scatter [tilespmem:s18], [sflag:$0x1], $0x80, v3, vm0, $0xb8;
	[tilespmem:$0x10100] =	vst v63  }
0x3c: {  	s19 =	simm.s32 $0x7800  }
0x3d: {  	[hbm4b:s10+s2] =	stream.indirect_vreg.scatter [tilespmem:s19], [sflag:$0x1], $0x80, v3, vm0, $0xb8;
	[tilespmem:$0x10100] =	vst v63  }
0x3e: {  	v3 =	vld [tilespmem:$0x10010];
	_ =	sdelay $0x4  }
0x3f: {  	v57 =	vshll.u32 v3, $0x4  }
0x40: {  	v3 =	vand.u32 $0x7, v3;
	v4 =	vand.u32 $0xFFFFFF80, v57  }
0x41: {  	v3 =	vor.u32 v3, v4  }
0x42: {  	v4 =	vperm.xlane v3, v0;
	_ =	sdelay $0x1  }
0x43: {  	v4 =	vadd.s32 v1, v4;
	_ =	sdelay $0x3  }
0x44: {  	s20 =	simm.s32 $0x8000  }
0x45: {  	[hbm4b:s3+s2] =	stream.indirect_vreg.scatter [tilespmem:s20], [sflag:$0x1], $0x80, v4, vm0, $0xb8;
	[tilespmem:$0x10100] =	vst v63  }
0x46: {  	s26 =	simm.s32 $0x8800  }
0x47: {  	[hbm4b:s4+s2] =	stream.indirect_vreg.scatter [tilespmem:s26], [sflag:$0x1], $0x80, v4, vm0, $0xb8;
	[tilespmem:$0x10100] =	vst v63  }
0x48: {  	s29 =	simm.s32 $0x9000  }
0x49: {  	[hbm4b:s5+s2] =	stream.indirect_vreg.scatter [tilespmem:s29], [sflag:$0x1], $0x80, v4, vm0, $0xb8;
	[tilespmem:$0x10100] =	vst v63  }
0x4a: {  	s0 =	simm.s32 $0x9800  }
0x4b: {  	[hbm4b:s6+s2] =	stream.indirect_vreg.scatter [tilespmem:s0], [sflag:$0x1], $0x80, v4, vm0, $0xb8;
	[tilespmem:$0x10100] =	vst v63  }
0x4c: {  	s1 =	simm.s32 $0xA000  }
0x4d: {  	[hbm4b:s7+s2] =	stream.indirect_vreg.scatter [tilespmem:s1], [sflag:$0x1], $0x80, v4, vm0, $0xb8;
	[tilespmem:$0x10100] =	vst v63  }
0x4e: {  	s13 =	simm.s32 $0xA800;
	v3 =	vperm.xlane v3, v2  }
0x4f: {  	[hbm4b:s8+s2] =	stream.indirect_vreg.scatter [tilespmem:s13], [sflag:$0x1], $0x80, v4, vm0, $0xb8;
	[tilespmem:$0x10100] =	vst v63  }
0x50: {  	s17 =	simm.s32 $0xB000;
	v3 =	vadd.s32 v1, v3  }
0x51: {  	[hbm4b:s9+s2] =	stream.indirect_vreg.scatter [tilespmem:s17], [sflag:$0x1], $0x80, v4, vm0, $0xb8;
	[tilespmem:$0x10100] =	vst v63  }
0x52: {  	s18 =	simm.s32 $0xB800  }
0x53: {  	[hbm4b:s10+s2] =	stream.indirect_vreg.scatter [tilespmem:s18], [sflag:$0x1], $0x80, v4, vm0, $0xb8;
	[tilespmem:$0x10100] =	vst v63  }
0x54: {  	s19 =	simm.s32 $0xC000  }
0x55: {  	[hbm4b:s3+s2] =	stream.indirect_vreg.scatter [tilespmem:s19], [sflag:$0x1], $0x80, v3, vm0, $0xb8;
	[tilespmem:$0x10100] =	vst v63  }
0x56: {  	s20 =	simm.s32 $0xC800  }
0x57: {  	[hbm4b:s4+s2] =	stream.indirect_vreg.scatter [tilespmem:s20], [sflag:$0x1], $0x80, v3, vm0, $0xb8;
	[tilespmem:$0x10100] =	vst v63  }
0x58: {  	s0 =	simm.s32 $0xD000  }
0x59: {  	[hbm4b:s5+s2] =	stream.indirect_vreg.scatter [tilespmem:s0], [sflag:$0x1], $0x80, v3, vm0, $0xb8;
	[tilespmem:$0x10100] =	vst v63  }
0x5a: {  	s17 =	simm.s32 $0xD800  }
0x5b: {  	[hbm4b:s6+s2] =	stream.indirect_vreg.scatter [tilespmem:s17], [sflag:$0x1], $0x80, v3, vm0, $0xb8;
	[tilespmem:$0x10100] =	vst v63  }
0x5c: {  	s18 =	simm.s32 $0xE000  }
0x5d: {  	[hbm4b:s7+s2] =	stream.indirect_vreg.scatter [tilespmem:s18], [sflag:$0x1], $0x80, v3, vm0, $0xb8;
	[tilespmem:$0x10100] =	vst v63  }
0x5e: {  	s19 =	simm.s32 $0xE800  }
0x5f: {  	[hbm4b:s8+s2] =	stream.indirect_vreg.scatter [tilespmem:s19], [sflag:$0x1], $0x80, v3, vm0, $0xb8;
	[tilespmem:$0x10100] =	vst v63  }
0x60: {  	s20 =	simm.s32 $0xF000  }
0x61: {  	[hbm4b:s9+s2] =	stream.indirect_vreg.scatter [tilespmem:s20], [sflag:$0x1], $0x80, v3, vm0, $0xb8;
	[tilespmem:$0x10100] =	vst v63  }
0x62: {  	s0 =	simm.s32 $0xF800  }
0x63: {  	[hbm4b:s10+s2] =	stream.indirect_vreg.scatter [tilespmem:s0], [sflag:$0x1], $0x80, v3, vm0, $0xb8;
	[tilespmem:$0x10100] =	vst v63  }
0x64: {  	v3 =	vld [tilespmem:$0x10080];
	_ =	sdelay $0x4  }
0x65: {  	v58 =	vshll.u32 v3, $0x4  }
0x66: {  	v3 =	vand.u32 $0x7, v3;
	v4 =	vand.u32 $0xFFFFFF80, v58  }
0x67: {  	v3 =	vor.u32 v3, v4  }
0x68: {  	v4 =	vperm.xlane v3, v0;
	_ =	sdelay $0x1  }
0x69: {  	v4 =	vadd.s32 v1, v4;
	_ =	sdelay $0x4  }
0x6a: {  	[hbm4b:s3+s2] =	stream.indirect_vreg.scatter [tilespmem:s2], [sflag:$0x1], $0x80, v4, vm0, $0xb8;
	[tilespmem:$0x10100] =	vst v63  }
0x6b: {  	s0 =	simm.s32 $0x800  }
0x6c: {  	[hbm4b:s4+s2] =	stream.indirect_vreg.scatter [tilespmem:s0], [sflag:$0x1], $0x80, v4, vm0, $0xb8;
	[tilespmem:$0x10100] =	vst v63  }
0x6d: {  	s0 =	simm.s32 $0x1000  }
0x6e: {  	[hbm4b:s5+s2] =	stream.indirect_vreg.scatter [tilespmem:s0], [sflag:$0x1], $0x80, v4, vm0, $0xb8;
	[tilespmem:$0x10100] =	vst v63  }
0x6f: {  	s0 =	simm.s32 $0x1800  }
0x70: {  	[hbm4b:s6+s2] =	stream.indirect_vreg.scatter [tilespmem:s0], [sflag:$0x1], $0x80, v4, vm0, $0xb8;
	[tilespmem:$0x10100] =	vst v63  }
0x71: {  	s14 =	simm.s32 $0x2000  }
0x72: {  	[hbm4b:s7+s2] =	stream.indirect_vreg.scatter [tilespmem:s14], [sflag:$0x1], $0x80, v4, vm0, $0xb8;
	[tilespmem:$0x10100] =	vst v63  }
0x73: {  	s15 =	simm.s32 $0x2800;
	v3 =	vperm.xlane v3, v2  }
0x74: {  	[hbm4b:s8+s2] =	stream.indirect_vreg.scatter [tilespmem:s15], [sflag:$0x1], $0x80, v4, vm0, $0xb8;
	[tilespmem:$0x10100] =	vst v63  }
0x75: {  	s21 =	simm.s32 $0x3000;
	v3 =	vadd.s32 v1, v3  }
0x76: {  	[hbm4b:s9+s2] =	stream.indirect_vreg.scatter [tilespmem:s21], [sflag:$0x1], $0x80, v4, vm0, $0xb8;
	[tilespmem:$0x10100] =	vst v63  }
0x77: {  	s22 =	simm.s32 $0x3800  }
0x78: {  	[hbm4b:s10+s2] =	stream.indirect_vreg.scatter [tilespmem:s22], [sflag:$0x1], $0x80, v4, vm0, $0xb8;
	[tilespmem:$0x10100] =	vst v63  }
0x79: {  	s23 =	simm.s32 $0x4000  }
0x7a: {  	[hbm4b:s3+s2] =	stream.indirect_vreg.scatter [tilespmem:s23], [sflag:$0x1], $0x80, v3, vm0, $0xb8;
	[tilespmem:$0x10100] =	vst v63  }
0x7b: {  	s24 =	simm.s32 $0x4800  }
0x7c: {  	[hbm4b:s4+s2] =	stream.indirect_vreg.scatter [tilespmem:s24], [sflag:$0x1], $0x80, v3, vm0, $0xb8;
	[tilespmem:$0x10100] =	vst v63  }
0x7d: {  	s28 =	simm.s32 $0x5000  }
0x7e: {  	[hbm4b:s5+s2] =	stream.indirect_vreg.scatter [tilespmem:s28], [sflag:$0x1], $0x80, v3, vm0, $0xb8;
	[tilespmem:$0x10100] =	vst v63  }
0x7f: {  	s28 =	simm.s32 $0x5800  }
0x80: {  	[hbm4b:s6+s2] =	stream.indirect_vreg.scatter [tilespmem:s28], [sflag:$0x1], $0x80, v3, vm0, $0xb8;
	[tilespmem:$0x10100] =	vst v63  }
0x81: {  	s0 =	simm.s32 $0x6000  }
0x82: {  	[hbm4b:s7+s2] =	stream.indirect_vreg.scatter [tilespmem:s0], [sflag:$0x1], $0x80, v3, vm0, $0xb8;
	[tilespmem:$0x10100] =	vst v63  }
0x83: {  	s30 =	simm.s32 $0x6800  }
0x84: {  	[hbm4b:s8+s2] =	stream.indirect_vreg.scatter [tilespmem:s30], [sflag:$0x1], $0x80, v3, vm0, $0xb8;
	[tilespmem:$0x10100] =	vst v63  }
0x85: {  	s31 =	simm.s32 $0x7000  }
0x86: {  	[hbm4b:s9+s2] =	stream.indirect_vreg.scatter [tilespmem:s31], [sflag:$0x1], $0x80, v3, vm0, $0xb8;
	[tilespmem:$0x10100] =	vst v63  }
0x87: {  	s16 =	simm.s32 $0x7800  }
0x88: {  	[hbm4b:s10+s2] =	stream.indirect_vreg.scatter [tilespmem:s16], [sflag:$0x1], $0x80, v3, vm0, $0xb8;
	[tilespmem:$0x10100] =	vst v63  }
0x89: {  	v3 =	vld [tilespmem:$0x10090];
	_ =	sdelay $0x4  }
0x8a: {  	v59 =	vshll.u32 v3, $0x4  }
0x8b: {  	v3 =	vand.u32 $0x7, v3;
	v4 =	vand.u32 $0xFFFFFF80, v59  }
0x8c: {  	v3 =	vor.u32 v3, v4  }
0x8d: {  	v4 =	vperm.xlane v3, v0;
	_ =	sdelay $0x1  }
0x8e: {  	v4 =	vadd.s32 v1, v4;
	_ =	sdelay $0x3  }
0x8f: {  	s30 =	simm.s32 $0x8000  }
0x90: {  	[hbm4b:s3+s2] =	stream.indirect_vreg.scatter [tilespmem:s30], [sflag:$0x1], $0x80, v4, vm0, $0xb8;
	[tilespmem:$0x10100] =	vst v63  }
0x91: {  	s31 =	simm.s32 $0x8800  }
0x92: {  	[hbm4b:s4+s2] =	stream.indirect_vreg.scatter [tilespmem:s31], [sflag:$0x1], $0x80, v4, vm0, $0xb8;
	[tilespmem:$0x10100] =	vst v63  }
0x93: {  	s22 =	simm.s32 $0x9000  }
0x94: {  	[hbm4b:s5+s2] =	stream.indirect_vreg.scatter [tilespmem:s22], [sflag:$0x1], $0x80, v4, vm0, $0xb8;
	[tilespmem:$0x10100] =	vst v63  }
0x95: {  	s29 =	simm.s32 $0x9800  }
0x96: {  	[hbm4b:s6+s2] =	stream.indirect_vreg.scatter [tilespmem:s29], [sflag:$0x1], $0x80, v4, vm0, $0xb8;
	[tilespmem:$0x10100] =	vst v63  }
0x97: {  	s1 =	simm.s32 $0xA000  }
0x98: {  	[hbm4b:s7+s2] =	stream.indirect_vreg.scatter [tilespmem:s1], [sflag:$0x1], $0x80, v4, vm0, $0xb8;
	[tilespmem:$0x10100] =	vst v63  }
0x99: {  	s13 =	simm.s32 $0xA800;
	v3 =	vperm.xlane v3, v2  }
0x9a: {  	[hbm4b:s8+s2] =	stream.indirect_vreg.scatter [tilespmem:s13], [sflag:$0x1], $0x80, v4, vm0, $0xb8;
	[tilespmem:$0x10100] =	vst v63  }
0x9b: {  	s23 =	simm.s32 $0xB000;
	v3 =	vadd.s32 v1, v3  }
0x9c: {  	[hbm4b:s9+s2] =	stream.indirect_vreg.scatter [tilespmem:s23], [sflag:$0x1], $0x80, v4, vm0, $0xb8;
	[tilespmem:$0x10100] =	vst v63  }
0x9d: {  	s24 =	simm.s32 $0xB800  }
0x9e: {  	[hbm4b:s10+s2] =	stream.indirect_vreg.scatter [tilespmem:s24], [sflag:$0x1], $0x80, v4, vm0, $0xb8;
	[tilespmem:$0x10100] =	vst v63  }
0x9f: {  	s29 =	simm.s32 $0xC000  }
0xa0: {  	[hbm4b:s3+s2] =	stream.indirect_vreg.scatter [tilespmem:s29], [sflag:$0x1], $0x80, v3, vm0, $0xb8;
	[tilespmem:$0x10100] =	vst v63  }
0xa1: {  	s30 =	simm.s32 $0xC800  }
0xa2: {  	[hbm4b:s4+s2] =	stream.indirect_vreg.scatter [tilespmem:s30], [sflag:$0x1], $0x80, v3, vm0, $0xb8;
	[tilespmem:$0x10100] =	vst v63  }
0xa3: {  	s31 =	simm.s32 $0xD000  }
0xa4: {  	[hbm4b:s5+s2] =	stream.indirect_vreg.scatter [tilespmem:s31], [sflag:$0x1], $0x80, v3, vm0, $0xb8;
	[tilespmem:$0x10100] =	vst v63  }
0xa5: {  	s17 =	simm.s32 $0xD800  }
0xa6: {  	[hbm4b:s6+s2] =	stream.indirect_vreg.scatter [tilespmem:s17], [sflag:$0x1], $0x80, v3, vm0, $0xb8;
	[tilespmem:$0x10100] =	vst v63  }
0xa7: {  	s18 =	simm.s32 $0xE000  }
0xa8: {  	[hbm4b:s7+s2] =	stream.indirect_vreg.scatter [tilespmem:s18], [sflag:$0x1], $0x80, v3, vm0, $0xb8;
	[tilespmem:$0x10100] =	vst v63  }
0xa9: {  	s19 =	simm.s32 $0xE800  }
0xaa: {  	[hbm4b:s8+s2] =	stream.indirect_vreg.scatter [tilespmem:s19], [sflag:$0x1], $0x80, v3, vm0, $0xb8;
	[tilespmem:$0x10100] =	vst v63  }
0xab: {  	s20 =	simm.s32 $0xF000  }
0xac: {  	[hbm4b:s9+s2] =	stream.indirect_vreg.scatter [tilespmem:s20], [sflag:$0x1], $0x80, v3, vm0, $0xb8;
	[tilespmem:$0x10100] =	vst v63  }
0xad: {  	s26 =	simm.s32 $0xF800  }
0xae: {  	[hbm4b:s10+s2] =	stream.indirect_vreg.scatter [tilespmem:s26], [sflag:$0x1], $0x80, v3, vm0, $0xb8;
	[tilespmem:$0x10100] =	vst v63  }
0xaf: {  	_ =	swait.ge [sflag:s25], $0x10000  }
0xb0: {  	[sflag:s25] =	ssyncset.done $0x0  }
0xb1: {  	[sflag:s25] =	ssyncadd.s32 $0xFFFF0000  }
0xb2: {  	_ =	swait.ge [sflag:s25], $0x10000  }
0xb3: {  	[sflag:s25] =	ssyncset.done $0x0  }
0xb4: {  	s21 =	rddreg [dreg:$0x6];
	[sflag:s25] =	ssyncadd.s32 $0xFFFF0000  }
0xb5: {  	[tilespmem:s2], [sflag:$0x2] =	stream.linear.gather [hbm4b:s21+s2], $0x10000, $0x38;
	[tilespmem:$0x10100] =	vst v63  }
0xb6: {  	_ =	swait.ge [sflag:s12], $0x10000  }
0xb7: {  	[sflag:s12] =	ssyncset.done $0x0  }
0xb8: {  	s23 =	simm.s32 $0x10000;
	s22 =	rddreg [dreg:$0x7];
	[sflag:s12] =	ssyncadd.s32 $0xFFFF0000  }
0xb9: {  	[tilespmem:s23], [sflag:$0x2] =	stream.linear.gather [hbm4b:s22+s2], $0x100, $0x38;
	[tilespmem:$0x10100] =	vst v63  }
0xba: {  	_ =	swait.ge [sflag:s12], $0x100  }
0xbb: {  	[sflag:s12] =	ssyncset.done $0x0  }
0xbc: {  	[sflag:s12] =	ssyncadd.s32 $0xFFFFFF00  }
0xbd: {  	v3 =	vld [tilespmem:$0x10000];
	_ =	sdelay $0x4  }
0xbe: {  	v60 =	vshll.u32 v3, $0x4  }
0xbf: {  	v3 =	vand.u32 $0x7, v3;
	v4 =	vand.u32 $0xFFFFFF80, v60  }
0xc0: {  	v3 =	vor.u32 v3, v4  }
0xc1: {  	v4 =	vperm.xlane v3, v0;
	_ =	sdelay $0x1  }
0xc2: {  	v4 =	vadd.s32 v1, v4;
	_ =	sdelay $0x4  }
0xc3: {  	[hbm4b:s3+s2] =	stream.indirect_vreg.scatter [tilespmem:s2], [sflag:$0x1], $0x80, v4, vm0, $0xb8;
	[tilespmem:$0x10100] =	vst v63  }
0xc4: {  	s24 =	simm.s32 $0x800  }
0xc5: {  	[hbm4b:s4+s2] =	stream.indirect_vreg.scatter [tilespmem:s24], [sflag:$0x1], $0x80, v4, vm0, $0xb8;
	[tilespmem:$0x10100] =	vst v63  }
0xc6: {  	s26 =	simm.s32 $0x1000  }
0xc7: {  	[hbm4b:s5+s2] =	stream.indirect_vreg.scatter [tilespmem:s26], [sflag:$0x1], $0x80, v4, vm0, $0xb8;
	[tilespmem:$0x10100] =	vst v63  }
0xc8: {  	s29 =	simm.s32 $0x1800  }
0xc9: {  	[hbm4b:s6+s2] =	stream.indirect_vreg.scatter [tilespmem:s29], [sflag:$0x1], $0x80, v4, vm0, $0xb8;
	[tilespmem:$0x10100] =	vst v63  }
0xca: {  	s30 =	simm.s32 $0x2000  }
0xcb: {  	[hbm4b:s7+s2] =	stream.indirect_vreg.scatter [tilespmem:s30], [sflag:$0x1], $0x80, v4, vm0, $0xb8;
	[tilespmem:$0x10100] =	vst v63  }
0xcc: {  	s31 =	simm.s32 $0x2800;
	v3 =	vperm.xlane v3, v2  }
0xcd: {  	[hbm4b:s8+s2] =	stream.indirect_vreg.scatter [tilespmem:s31], [sflag:$0x1], $0x80, v4, vm0, $0xb8;
	[tilespmem:$0x10100] =	vst v63  }
0xce: {  	s21 =	simm.s32 $0x3000;
	v3 =	vadd.s32 v1, v3  }
0xcf: {  	[hbm4b:s9+s2] =	stream.indirect_vreg.scatter [tilespmem:s21], [sflag:$0x1], $0x80, v4, vm0, $0xb8;
	[tilespmem:$0x10100] =	vst v63  }
0xd0: {  	s22 =	simm.s32 $0x3800  }
0xd1: {  	[hbm4b:s10+s2] =	stream.indirect_vreg.scatter [tilespmem:s22], [sflag:$0x1], $0x80, v4, vm0, $0xb8;
	[tilespmem:$0x10100] =	vst v63  }
0xd2: {  	s23 =	simm.s32 $0x4000  }
0xd3: {  	[hbm4b:s3+s2] =	stream.indirect_vreg.scatter [tilespmem:s23], [sflag:$0x1], $0x80, v3, vm0, $0xb8;
	[tilespmem:$0x10100] =	vst v63  }
0xd4: {  	s24 =	simm.s32 $0x4800  }
0xd5: {  	[hbm4b:s4+s2] =	stream.indirect_vreg.scatter [tilespmem:s24], [sflag:$0x1], $0x80, v3, vm0, $0xb8;
	[tilespmem:$0x10100] =	vst v63  }
0xd6: {  	s26 =	simm.s32 $0x5000  }
0xd7: {  	[hbm4b:s5+s2] =	stream.indirect_vreg.scatter [tilespmem:s26], [sflag:$0x1], $0x80, v3, vm0, $0xb8;
	[tilespmem:$0x10100] =	vst v63  }
0xd8: {  	_ = 	snop  }
0xd9: {  	[hbm4b:s6+s2] =	stream.indirect_vreg.scatter [tilespmem:s28], [sflag:$0x1], $0x80, v3, vm0, $0xb8;
	[tilespmem:$0x10100] =	vst v63  }
0xda: {  	_ = 	snop  }
0xdb: {  	[hbm4b:s7+s2] =	stream.indirect_vreg.scatter [tilespmem:s0], [sflag:$0x1], $0x80, v3, vm0, $0xb8;
	[tilespmem:$0x10100] =	vst v63  }
0xdc: {  	s14 =	simm.s32 $0x6800  }
0xdd: {  	[hbm4b:s8+s2] =	stream.indirect_vreg.scatter [tilespmem:s14], [sflag:$0x1], $0x80, v3, vm0, $0xb8;
	[tilespmem:$0x10100] =	vst v63  }
0xde: {  	s15 =	simm.s32 $0x7000  }
0xdf: {  	[hbm4b:s9+s2] =	stream.indirect_vreg.scatter [tilespmem:s15], [sflag:$0x1], $0x80, v3, vm0, $0xb8;
	[tilespmem:$0x10100] =	vst v63  }
0xe0: {  	s17 =	simm.s32 $0x7800  }
0xe1: {  	[hbm4b:s10+s2] =	stream.indirect_vreg.scatter [tilespmem:s17], [sflag:$0x1], $0x80, v3, vm0, $0xb8;
	[tilespmem:$0x10100] =	vst v63  }
0xe2: {  	v3 =	vld [tilespmem:$0x10010];
	_ =	sdelay $0x4  }
0xe3: {  	v61 =	vshll.u32 v3, $0x4  }
0xe4: {  	v3 =	vand.u32 $0x7, v3;
	v4 =	vand.u32 $0xFFFFFF80, v61  }
0xe5: {  	v3 =	vor.u32 v3, v4  }
0xe6: {  	v4 =	vperm.xlane v3, v0;
	_ =	sdelay $0x1  }
0xe7: {  	v4 =	vadd.s32 v1, v4;
	_ =	sdelay $0x3  }
0xe8: {  	s16 =	simm.s32 $0x8000  }
0xe9: {  	[hbm4b:s3+s2] =	stream.indirect_vreg.scatter [tilespmem:s16], [sflag:$0x1], $0x80, v4, vm0, $0xb8;
	[tilespmem:$0x10100] =	vst v63  }
0xea: {  	s18 =	simm.s32 $0x8800  }
0xeb: {  	[hbm4b:s4+s2] =	stream.indirect_vreg.scatter [tilespmem:s18], [sflag:$0x1], $0x80, v4, vm0, $0xb8;
	[tilespmem:$0x10100] =	vst v63  }
0xec: {  	s19 =	simm.s32 $0x9000  }
0xed: {  	[hbm4b:s5+s2] =	stream.indirect_vreg.scatter [tilespmem:s19], [sflag:$0x1], $0x80, v4, vm0, $0xb8;
	[tilespmem:$0x10100] =	vst v63  }
0xee: {  	s0 =	simm.s32 $0x9800  }
0xef: {  	[hbm4b:s6+s2] =	stream.indirect_vreg.scatter [tilespmem:s0], [sflag:$0x1], $0x80, v4, vm0, $0xb8;
	[tilespmem:$0x10100] =	vst v63  }
0xf0: {  	s20 =	simm.s32 $0xA000  }
0xf1: {  	[hbm4b:s7+s2] =	stream.indirect_vreg.scatter [tilespmem:s20], [sflag:$0x1], $0x80, v4, vm0, $0xb8;
	[tilespmem:$0x10100] =	vst v63  }
0xf2: {  	s13 =	simm.s32 $0xA800;
	v3 =	vperm.xlane v3, v2  }
0xf3: {  	[hbm4b:s8+s2] =	stream.indirect_vreg.scatter [tilespmem:s13], [sflag:$0x1], $0x80, v4, vm0, $0xb8;
	[tilespmem:$0x10100] =	vst v63  }
0xf4: {  	s1 =	simm.s32 $0xB000;
	v3 =	vadd.s32 v1, v3  }
0xf5: {  	[hbm4b:s9+s2] =	stream.indirect_vreg.scatter [tilespmem:s1], [sflag:$0x1], $0x80, v4, vm0, $0xb8;
	[tilespmem:$0x10100] =	vst v63  }
0xf6: {  	s13 =	simm.s32 $0xB800  }
0xf7: {  	[hbm4b:s10+s2] =	stream.indirect_vreg.scatter [tilespmem:s13], [sflag:$0x1], $0x80, v4, vm0, $0xb8;
	[tilespmem:$0x10100] =	vst v63  }
0xf8: {  	s14 =	simm.s32 $0xC000  }
0xf9: {  	[hbm4b:s3+s2] =	stream.indirect_vreg.scatter [tilespmem:s14], [sflag:$0x1], $0x80, v3, vm0, $0xb8;
	[tilespmem:$0x10100] =	vst v63  }
0xfa: {  	s15 =	simm.s32 $0xC800  }
0xfb: {  	[hbm4b:s4+s2] =	stream.indirect_vreg.scatter [tilespmem:s15], [sflag:$0x1], $0x80, v3, vm0, $0xb8;
	[tilespmem:$0x10100] =	vst v63  }
0xfc: {  	s16 =	simm.s32 $0xD000  }
0xfd: {  	[hbm4b:s5+s2] =	stream.indirect_vreg.scatter [tilespmem:s16], [sflag:$0x1], $0x80, v3, vm0, $0xb8;
	[tilespmem:$0x10100] =	vst v63  }
0xfe: {  	s17 =	simm.s32 $0xD800  }
0xff: {  	[hbm4b:s6+s2] =	stream.indirect_vreg.scatter [tilespmem:s17], [sflag:$0x1], $0x80, v3, vm0, $0xb8;
	[tilespmem:$0x10100] =	vst v63  }
0x100: {  	s18 =	simm.s32 $0xE000  }
0x101: {  	[hbm4b:s7+s2] =	stream.indirect_vreg.scatter [tilespmem:s18], [sflag:$0x1], $0x80, v3, vm0, $0xb8;
	[tilespmem:$0x10100] =	vst v63  }
0x102: {  	s19 =	simm.s32 $0xE800  }
0x103: {  	[hbm4b:s8+s2] =	stream.indirect_vreg.scatter [tilespmem:s19], [sflag:$0x1], $0x80, v3, vm0, $0xb8;
	[tilespmem:$0x10100] =	vst v63  }
0x104: {  	s20 =	simm.s32 $0xF000  }
0x105: {  	[hbm4b:s9+s2] =	stream.indirect_vreg.scatter [tilespmem:s20], [sflag:$0x1], $0x80, v3, vm0, $0xb8;
	[tilespmem:$0x10100] =	vst v63  }
0x106: {  	s28 =	simm.s32 $0xF800  }
0x107: {  	[hbm4b:s10+s2] =	stream.indirect_vreg.scatter [tilespmem:s28], [sflag:$0x1], $0x80, v3, vm0, $0xb8;
	[tilespmem:$0x10100] =	vst v63  }
0x108: {  	v3 =	vld [tilespmem:$0x10080];
	_ =	sdelay $0x4  }
0x109: {  	v62 =	vshll.u32 v3, $0x4  }
0x10a: {  	v3 =	vand.u32 $0x7, v3;
	v4 =	vand.u32 $0xFFFFFF80, v62  }
0x10b: {  	v3 =	vor.u32 v3, v4  }
0x10c: {  	v4 =	vperm.xlane v3, v0;
	_ =	sdelay $0x1  }
0x10d: {  	v4 =	vadd.s32 v1, v4;
	_ =	sdelay $0x4  }
0x10e: {  	[hbm4b:s3+s2] =	stream.indirect_vreg.scatter [tilespmem:s2], [sflag:$0x1], $0x80, v4, vm0, $0xb8;
	[tilespmem:$0x10100] =	vst v63  }
0x10f: {  	s28 =	simm.s32 $0x800  }
0x110: {  	[hbm4b:s4+s2] =	stream.indirect_vreg.scatter [tilespmem:s28], [sflag:$0x1], $0x80, v4, vm0, $0xb8;
	[tilespmem:$0x10100] =	vst v63  }
0x111: {  	s28 =	simm.s32 $0x1000  }
0x112: {  	[hbm4b:s5+s2] =	stream.indirect_vreg.scatter [tilespmem:s28], [sflag:$0x1], $0x80, v4, vm0, $0xb8;
	[tilespmem:$0x10100] =	vst v63  }
0x113: {  	s28 =	simm.s32 $0x1800  }
0x114: {  	[hbm4b:s6+s2] =	stream.indirect_vreg.scatter [tilespmem:s28], [sflag:$0x1], $0x80, v4, vm0, $0xb8;
	[tilespmem:$0x10100] =	vst v63  }
0x115: {  	s28 =	simm.s32 $0x2000  }
0x116: {  	[hbm4b:s7+s2] =	stream.indirect_vreg.scatter [tilespmem:s28], [sflag:$0x1], $0x80, v4, vm0, $0xb8;
	[tilespmem:$0x10100] =	vst v63  }
0x117: {  	v3 =	vperm.xlane v3, v2;
	s28 =	simm.s32 $0x2800  }
0x118: {  	[hbm4b:s8+s2] =	stream.indirect_vreg.scatter [tilespmem:s28], [sflag:$0x1], $0x80, v4, vm0, $0xb8;
	[tilespmem:$0x10100] =	vst v63  }
0x119: {  	v3 =	vadd.s32 v1, v3  }
0x11a: {  	[hbm4b:s9+s2] =	stream.indirect_vreg.scatter [tilespmem:s21], [sflag:$0x1], $0x80, v4, vm0, $0xb8;
	[tilespmem:$0x10100] =	vst v63  }
0x11b: {  	_ = 	snop  }
0x11c: {  	[hbm4b:s10+s2] =	stream.indirect_vreg.scatter [tilespmem:s22], [sflag:$0x1], $0x80, v4, vm0, $0xb8;
	[tilespmem:$0x10100] =	vst v63  }
0x11d: {  	_ = 	snop  }
0x11e: {  	[hbm4b:s3+s2] =	stream.indirect_vreg.scatter [tilespmem:s23], [sflag:$0x1], $0x80, v3, vm0, $0xb8;
	[tilespmem:$0x10100] =	vst v63  }
0x11f: {  	_ = 	snop  }
0x120: {  	[hbm4b:s4+s2] =	stream.indirect_vreg.scatter [tilespmem:s24], [sflag:$0x1], $0x80, v3, vm0, $0xb8;
	[tilespmem:$0x10100] =	vst v63  }
0x121: {  	_ = 	snop  }
0x122: {  	[hbm4b:s5+s2] =	stream.indirect_vreg.scatter [tilespmem:s26], [sflag:$0x1], $0x80, v3, vm0, $0xb8;
	[tilespmem:$0x10100] =	vst v63  }
0x123: {  	s22 =	simm.s32 $0x5800  }
0x124: {  	[hbm4b:s6+s2] =	stream.indirect_vreg.scatter [tilespmem:s22], [sflag:$0x1], $0x80, v3, vm0, $0xb8;
	[tilespmem:$0x10100] =	vst v63  }
0x125: {  	s29 =	simm.s32 $0x6000  }
0x126: {  	[hbm4b:s7+s2] =	stream.indirect_vreg.scatter [tilespmem:s29], [sflag:$0x1], $0x80, v3, vm0, $0xb8;
	[tilespmem:$0x10100] =	vst v63  }
0x127: {  	s30 =	simm.s32 $0x6800  }
0x128: {  	[hbm4b:s8+s2] =	stream.indirect_vreg.scatter [tilespmem:s30], [sflag:$0x1], $0x80, v3, vm0, $0xb8;
	[tilespmem:$0x10100] =	vst v63  }
0x129: {  	s31 =	simm.s32 $0x7000  }
0x12a: {  	[hbm4b:s9+s2] =	stream.indirect_vreg.scatter [tilespmem:s31], [sflag:$0x1], $0x80, v3, vm0, $0xb8;
	[tilespmem:$0x10100] =	vst v63  }
0x12b: {  	s23 =	simm.s32 $0x7800  }
0x12c: {  	[hbm4b:s10+s2] =	stream.indirect_vreg.scatter [tilespmem:s23], [sflag:$0x1], $0x80, v3, vm0, $0xb8;
	[tilespmem:$0x10100] =	vst v63  }
0x12d: {  	v3 =	vld [tilespmem:$0x10090];
	_ =	sdelay $0x4  }
0x12e: {  	v63 =	vshll.u32 v3, $0x4  }
0x12f: {  	v3 =	vand.u32 $0x7, v3;
	v4 =	vand.u32 $0xFFFFFF80, v63  }
0x130: {  	v3 =	vor.u32 v3, v4  }
0x131: {  	v4 =	vperm.xlane v3, v0;
	_ =	sdelay $0x1  }
0x132: {  	v4 =	vadd.s32 v1, v4;
	_ =	sdelay $0x3  }
0x133: {  	s24 =	simm.s32 $0x8000  }
0x134: {  	[hbm4b:s3+s2] =	stream.indirect_vreg.scatter [tilespmem:s24], [sflag:$0x1], $0x80, v4, vm0, $0xb8;
	[tilespmem:$0x10100] =	vst v63  }
0x135: {  	s26 =	simm.s32 $0x8800  }
0x136: {  	[hbm4b:s4+s2] =	stream.indirect_vreg.scatter [tilespmem:s26], [sflag:$0x1], $0x80, v4, vm0, $0xb8;
	[tilespmem:$0x10100] =	vst v63  }
0x137: {  	s28 =	simm.s32 $0x9000  }
0x138: {  	[hbm4b:s5+s2] =	stream.indirect_vreg.scatter [tilespmem:s28], [sflag:$0x1], $0x80, v4, vm0, $0xb8;
	[tilespmem:$0x10100] =	vst v63  }
0x139: {  	_ = 	snop  }
0x13a: {  	[hbm4b:s6+s2] =	stream.indirect_vreg.scatter [tilespmem:s0], [sflag:$0x1], $0x80, v4, vm0, $0xb8;
	[tilespmem:$0x10100] =	vst v63  }
0x13b: {  	s29 =	simm.s32 $0xA000  }
0x13c: {  	[hbm4b:s7+s2] =	stream.indirect_vreg.scatter [tilespmem:s29], [sflag:$0x1], $0x80, v4, vm0, $0xb8;
	[tilespmem:$0x10100] =	vst v63  }
0x13d: {  	s30 =	simm.s32 $0xA800;
	v3 =	vperm.xlane v3, v2  }
0x13e: {  	[hbm4b:s8+s2] =	stream.indirect_vreg.scatter [tilespmem:s30], [sflag:$0x1], $0x80, v4, vm0, $0xb8;
	[tilespmem:$0x10100] =	vst v63  }
0x13f: {  	v3 =	vadd.s32 v1, v3  }
0x140: {  	[hbm4b:s9+s2] =	stream.indirect_vreg.scatter [tilespmem:s1], [sflag:$0x1], $0x80, v4, vm0, $0xb8;
	[tilespmem:$0x10100] =	vst v63  }
0x141: {  	_ = 	snop  }
0x142: {  	[hbm4b:s10+s2] =	stream.indirect_vreg.scatter [tilespmem:s13], [sflag:$0x1], $0x80, v4, vm0, $0xb8;
	[tilespmem:$0x10100] =	vst v63  }
0x143: {  	_ = 	snop  }
0x144: {  	[hbm4b:s3+s2] =	stream.indirect_vreg.scatter [tilespmem:s14], [sflag:$0x1], $0x80, v3, vm0, $0xb8;
	[tilespmem:$0x10100] =	vst v63  }
0x145: {  	_ = 	snop  }
0x146: {  	[hbm4b:s4+s2] =	stream.indirect_vreg.scatter [tilespmem:s15], [sflag:$0x1], $0x80, v3, vm0, $0xb8;
	[tilespmem:$0x10100] =	vst v63  }
0x147: {  	_ = 	snop  }
0x148: {  	[hbm4b:s5+s2] =	stream.indirect_vreg.scatter [tilespmem:s16], [sflag:$0x1], $0x80, v3, vm0, $0xb8;
	[tilespmem:$0x10100] =	vst v63  }
0x149: {  	_ = 	snop  }
0x14a: {  	[hbm4b:s6+s2] =	stream.indirect_vreg.scatter [tilespmem:s17], [sflag:$0x1], $0x80, v3, vm0, $0xb8;
	[tilespmem:$0x10100] =	vst v63  }
0x14b: {  	_ = 	snop  }
0x14c: {  	[hbm4b:s7+s2] =	stream.indirect_vreg.scatter [tilespmem:s18], [sflag:$0x1], $0x80, v3, vm0, $0xb8;
	[tilespmem:$0x10100] =	vst v63  }
0x14d: {  	_ = 	snop  }
0x14e: {  	[hbm4b:s8+s2] =	stream.indirect_vreg.scatter [tilespmem:s19], [sflag:$0x1], $0x80, v3, vm0, $0xb8;
	[tilespmem:$0x10100] =	vst v63  }
0x14f: {  	_ = 	snop  }
0x150: {  	[hbm4b:s9+s2] =	stream.indirect_vreg.scatter [tilespmem:s20], [sflag:$0x1], $0x80, v3, vm0, $0xb8;
	[tilespmem:$0x10100] =	vst v63  }
0x151: {  	s31 =	simm.s32 $0xF800  }
0x152: {  	[hbm4b:s10+s2] =	stream.indirect_vreg.scatter [tilespmem:s31], [sflag:$0x1], $0x80, v3, vm0, $0xb8;
	[tilespmem:$0x10100] =	vst v63  }
0x153: {  	p0 =	sne.s32 s11, $0x1;
	_ =	swait.ge [sflag:s25], $0x10000  }
.Ltmp0:
0x154: {  	[sflag:s25] =	ssyncset.done $0x0;
	(pc) =	sbr.rel @p0 .LBB2_1-.Ltmp0, $4  }
0x155: {  	[sflag:s25] =	ssyncadd.s32 $0xFFFF0000  }
0x156: {  	_ =	swait.ge [sflag:s25], $0x10000  }
0x157: {  	[sflag:s25] =	ssyncset.done $0x0  }
0x158: {  	s11 =	sadd.s32 $0xFFFFFFFF, s11;
	[sflag:s25] =	ssyncadd.s32 $0xFFFF0000  }
0x159: {  	_ =	sfence.sel $0x180000  }
0x15a: {  	[bflag:$0x0] =	sbarrier.arrive $0xFFFF  }
0x15b: {  	_ =	strace $0x90000047  }
0x15c: {  	s0 =	stileid.u32;
	[bflag:$0x2] =	sbarrier.arrive $0xFFFF  }
0x15d: {  	p0 =	sne.s32 s0, $0x0;
	s0 =	rddreg [dreg:$0x3]  }
0x15e: {  	s0 =	sadd.s32 @!p0 $0x100000, s0  }
0x15f: {  	[sflag:s0] =	ssyncadd.tile.s32 @!p0 $0x1;
	_ =	shalt  }
.Lfunc_end2:
_tile_overlayer_lowered:
.L_overlay_start_2:
0x160: {  	(tag) =	ssettag $0x2  }
0x161: {  	s0 =	rddreg [dreg:$0x0];
	s2 =	stileid.u32  }
0x162: {  	s1 =	rddreg [dreg:$0x1];
	p0 =	sne.s32 s2, $0x0  }
0x163: {  	s3 =	rddreg [dreg:$0x2];
	[bflag:$0x3] =	sbarrier.arrive $0xFFFF;
	s2 =	simm.s32 @!p0 $0x1C02  }
0x164: {  	[timem:s3], [sflag:s2] =	dma.local @!p0 [hbm:s0], s1  }
0x165: {  	s0 =	simm.s32 @!p0 $0x2  }
0x166: {  	_ =	swait.ge @!p0 [sflag:s0], s1  }
0x167: {  	s1 =	ssub.s32 @!p0 $0x0, s1;
	[sflag:s0] =	ssyncset.done @!p0 $0x0  }
0x168: {  	[sflag:s0] =	ssyncadd.s32 @!p0 s1  }
0x169: {  	[bflag:$0x3] =	sbarrier.arrive $0xFFFF  }
0x16a: {  	_ =	shalt  }

</sc_bundles>
